<compile_context>
chip_gen: v7x
topology: tpu7x:2x2x1
jax: 0.10.2.dev20260603
libtpu: 0.0.44.dev20260713+nightly
codegen_flags: <defaults>
</compile_context>

<pallas_src>
import functools

import jax
import jax.numpy as jnp
from jax import lax
from jax.experimental import pallas as pl
from jax.experimental.pallas import tpu as pltpu
from jax.experimental.pallas import tpu_sc as plsc

N = 10000
E = 320000
D = 128

NC = 2
NS = 16
NW = NC * NS
CH = 128
NCH = 80
EPW = NCH * CH
EP = NW * EPW
PH = NCH // 2
NP = 10240
STRIPE = NP // NS
ZB = 128

_MESH = plsc.VectorSubcoreMesh(core_axis_name="c", subcore_axis_name="s")


@functools.partial(
    pl.kernel,
    out_type=jax.ShapeDtypeStruct((NC, NP, D), jnp.float32),
    mesh=_MESH,
    scratch_types=[
        pltpu.VMEM((NCH, CH), jnp.int32),
        pltpu.VMEM((CH, D), jnp.float32),
        pltpu.SemaphoreType.DMA,
        pltpu.VMEM_SHARED((NP, D), jnp.float32),
    ],
)
def _deg_kernel(col2d, ones128, zerosd, out, col_v, ones_v, dsem, deg_sh):
    c = lax.axis_index("c")
    s = lax.axis_index("s")
    w = c * NS + s
    for k in range(STRIPE // ZB):
        pltpu.sync_copy(zerosd, deg_sh.at[pl.ds(s * STRIPE + k * ZB, ZB)])
    pltpu.sync_copy(ones128, ones_v)
    pltpu.sync_copy(col2d.at[w], col_v)
    plsc.subcore_barrier()

    def fire(j, carry):
        pltpu.async_copy(ones_v, deg_sh.at[col_v.at[j]], dsem, add=True)
        return carry

    def drain(j, carry):
        pltpu.make_async_copy(ones_v, deg_sh.at[col_v.at[j]], dsem).wait()
        return carry

    lax.fori_loop(0, NCH, fire, 0)
    lax.fori_loop(0, NCH, drain, 0)
    plsc.subcore_barrier()
    pltpu.sync_copy(deg_sh.at[pl.ds(s * STRIPE, STRIPE)],
                    out.at[c, pl.ds(s * STRIPE, STRIPE)])


@functools.partial(
    pl.kernel,
    out_type=jax.ShapeDtypeStruct((NC, NP, D), jnp.float32),
    mesh=_MESH,
    scratch_types=[
        pltpu.VMEM((PH, CH), jnp.int32),
        pltpu.VMEM((PH, CH), jnp.int32),
        pltpu.VMEM((CH, D), jnp.float32),
        pltpu.VMEM((CH, D), jnp.float32),
        pltpu.SemaphoreType.DMA,
        pltpu.SemaphoreType.DMA,
        pltpu.VMEM_SHARED((NP, D), jnp.float32),
    ],
)
def _spmm_kernel(x2, row2d, col2d, zerosd, out,
                 row_v, col_v, buf0, buf1, sem0, sem1, agg_sh):
    c = lax.axis_index("c")
    s = lax.axis_index("s")
    w = c * NS + s
    for k in range(STRIPE // ZB):
        pltpu.sync_copy(zerosd, agg_sh.at[pl.ds(s * STRIPE + k * ZB, ZB)])
    plsc.subcore_barrier()

    for ph in range(NCH // PH):
        pltpu.sync_copy(row2d.at[w, pl.ds(ph * PH, PH)], row_v)
        pltpu.sync_copy(col2d.at[w, pl.ds(ph * PH, PH)], col_v)
        pltpu.async_copy(x2.at[col_v.at[0]], buf0, sem0)

        def body(t, carry):
            j0 = 2 * t
            pltpu.async_copy(x2.at[col_v.at[j0 + 1]], buf1, sem1)
            pltpu.make_async_copy(x2.at[col_v.at[j0]], buf0, sem0).wait()
            pltpu.sync_copy(buf0, agg_sh.at[row_v.at[j0]], add=True)
            pltpu.async_copy(x2.at[col_v.at[j0 + 2]], buf0, sem0)
            pltpu.make_async_copy(x2.at[col_v.at[j0 + 1]], buf1, sem1).wait()
            pltpu.sync_copy(buf1, agg_sh.at[row_v.at[j0 + 1]], add=True)
            return carry

        lax.fori_loop(0, PH // 2 - 1, body, 0)
        pltpu.async_copy(x2.at[col_v.at[PH - 1]], buf1, sem1)
        pltpu.make_async_copy(x2.at[col_v.at[PH - 2]], buf0, sem0).wait()
        pltpu.sync_copy(buf0, agg_sh.at[row_v.at[PH - 2]], add=True)
        pltpu.make_async_copy(x2.at[col_v.at[PH - 1]], buf1, sem1).wait()
        pltpu.sync_copy(buf1, agg_sh.at[row_v.at[PH - 1]], add=True)

    plsc.subcore_barrier()
    pltpu.sync_copy(agg_sh.at[pl.ds(s * STRIPE, STRIPE)],
                    out.at[c, pl.ds(s * STRIPE, STRIPE)])


def _prep_body(x_ref, deg_ref, p_ref, x2_ref, dis_ref, mu_ref):
    x = x_ref[...]
    mu = jnp.min(x)
    pp = jax.nn.sigmoid(p_ref[...][0, 0]) + 1.0
    deg = deg_ref[0, 0:N, 0:1] + deg_ref[1, 0:N, 0:1]
    dis = jnp.where(deg > 0.0, lax.rsqrt(deg), 0.0)
    x2_ref[0:N, :] = dis * jnp.power(x - mu + 1e-6, pp)
    x2_ref[N:NP, :] = jnp.zeros((NP - N, D), jnp.float32)
    dis_ref[...] = dis
    mu_ref[...] = jnp.reshape(mu, (1, 1))


_prep_call = pl.pallas_call(
    _prep_body,
    out_shape=(
        jax.ShapeDtypeStruct((NP, D), jnp.float32),
        jax.ShapeDtypeStruct((N, 1), jnp.float32),
        jax.ShapeDtypeStruct((1, 1), jnp.float32),
    ),
)


_RB = 2000


def _out_body(x_ref, agga_ref, aggb_ref, dis_ref, mu_ref, p_ref, eps_ref,
              o_ref):
    pp = jax.nn.sigmoid(p_ref[...][0, 0]) + 1.0
    mu = mu_ref[...][0, 0]
    eps = eps_ref[...][0, 0]
    agg = dis_ref[...] * (agga_ref[0] + aggb_ref[0])
    o_ref[...] = (jnp.power(agg + 1e-6, 1.0 / pp)
                  + (1.0 + eps) * x_ref[...] + mu)


_out_call = pl.pallas_call(
    _out_body,
    grid=(N // _RB,),
    in_specs=[
        pl.BlockSpec((_RB, D), lambda i: (i, 0)),
        pl.BlockSpec((1, _RB, D), lambda i: (0, i, 0)),
        pl.BlockSpec((1, _RB, D), lambda i: (1, i, 0)),
        pl.BlockSpec((_RB, 1), lambda i: (i, 0)),
        pl.BlockSpec((1, 1), lambda i: (0, 0)),
        pl.BlockSpec((1, 1), lambda i: (0, 0)),
        pl.BlockSpec((1, 1), lambda i: (0, 0)),
    ],
    out_specs=pl.BlockSpec((_RB, D), lambda i: (i, 0)),
    out_shape=jax.ShapeDtypeStruct((N, D), jnp.float32),
)


def kernel(x, edge_index, eps, p):
    pad = jnp.broadcast_to(N + (jnp.arange(EP - E, dtype=jnp.int32)
                                % (NP - N)), (2, EP - E))
    ei = jnp.concatenate([edge_index, pad], axis=1)
    row2d = ei[0].reshape(NW, NCH, CH)
    col2d = ei[1].reshape(NW, NCH, CH)
    ones128 = jnp.ones((CH, D), jnp.float32)
    zerosd = jnp.zeros((ZB, D), jnp.float32)
    p11 = p.reshape(1, 1)
    eps11 = eps.reshape(1, 1)

    deg2 = _deg_kernel(col2d, ones128, zerosd)
    x2, dis, mu = _prep_call(x, deg2, p11)
    agg2 = _spmm_kernel(x2, row2d, col2d, zerosd)
    return _out_call(x, agg2, agg2, dis, mu, p11, eps11)

# --- scband reference (transcript-rebuilt; emitter-appended) ---
"""Pipeline reference for scband-gcnconv-g-86148454023366 (READ-ONLY COPY).

The authoritative reference and input builder live on the scoring server;
editing this copy changes nothing except your own understanding.
"""

import jax, jax.numpy as jnp
import numpy as np

N = 10000
E = 320000
D = 128

def setup_inputs(seed: int = 0) -> dict:
    key = jax.random.key(seed)
    k1, k2, k3 = jax.random.split(key, 3)
    x = jax.random.normal(k1, (N, D), dtype=jnp.float32)
    edge_index = jax.random.randint(k2, (2, E), 0, N, dtype=jnp.int32)
    # learned parameters
    eps = jnp.zeros((1,), dtype=jnp.float32)  # init eps=0, train_eps=True
    p = jax.random.uniform(k3, (1,), minval=-1.0, maxval=1.0, dtype=jnp.float32)
    return {"x": x, "edge_index": edge_index, "eps": eps, "p": p}

def reference(x, edge_index, eps, p):
    row = edge_index[0]
    col = edge_index[1]
    n = x.shape[0]
    # degree(col, N): in-degree via scatter-add of ones
    deg = jnp.zeros((n,), dtype=x.dtype).at[col].add(1.0)
    deg_inv_sqrt = jnp.power(deg, -0.5)
    deg_inv_sqrt = jnp.where(jnp.isinf(deg_inv_sqrt), 0.0, deg_inv_sqrt)
    norm = deg_inv_sqrt[row] * deg_inv_sqrt[col]
    # NonLinear branch
    pp = jax.nn.sigmoid(p) + 1.0  # shape (1,), broadcasts
    mu = x.min()
    x1 = jnp.power(x - mu + 1e-06, pp)
    # spmm(adj, x1): adj[row[e], col[e]] = norm[e]
    msgs = norm[:, None] * x1[col]           # gather on col
    agg = jnp.zeros_like(x).at[row].add(msgs)  # scatter-add on row
    out = jnp.power(agg + 1e-06, 1.0 / pp) + (1.0 + eps) * x + mu
    return out

if __name__ == "__main__":
    import jax
    _d = setup_inputs()
    print(jax.jit(kernel)(*tuple(_d.values())))

</pallas_src>

<mosaic_0001>
#map = affine_map<(d0, d1) -> (0, 0)>
#map1 = affine_map<(d0, d1) -> (0, 0, 0)>
module attributes {stable_mosaic.version = 14 : i64} {
  func.func @_spmm_kernel(%arg0: i32, %arg1: i32, %arg2: memref<10240x128xf32, #tpu.memory_space<hbm>>, %arg3: memref<32x80x128xi32, #tpu.memory_space<hbm>>, %arg4: memref<32x80x128xi32, #tpu.memory_space<hbm>>, %arg5: memref<128x128xf32, #tpu.memory_space<hbm>>, %arg6: memref<2x10240x128xf32, #tpu.memory_space<hbm>>, %arg7: memref<40x128xi32, #tpu.memory_space<vmem>>, %arg8: memref<40x128xi32, #tpu.memory_space<vmem>>, %arg9: memref<128x128xf32, #tpu.memory_space<vmem>>, %arg10: memref<128x128xf32, #tpu.memory_space<vmem>>, %arg11: memref<!tpu.dma_semaphore, #tpu.memory_space<semaphore_mem>>, %arg12: memref<!tpu.dma_semaphore, #tpu.memory_space<semaphore_mem>>, %arg13: memref<10240x128xf32, #tpu.memory_space<vmem_shared>>) attributes {dimension_semantics = [#tpu.dimension_semantics<core_parallel>, #tpu.dimension_semantics<subcore_parallel>], iteration_bounds = array<i64: 2, 16>, scalar_prefetch = 0 : i64, scratch_operands = 7 : i64, tpu.core_type = #tpu.core_type<sc_vector_subcore>, window_params = [{transform_indices = #map}, {transform_indices = #map1}, {transform_indices = #map1}, {transform_indices = #map}, {transform_indices = #map1}]} {
    %mul3A = arith.constant 16 : i32
    %mul3A_0 = arith.muli %arg0, %mul3A : i32
    %add3A = arith.addi %mul3A_0, %arg1 : i32
    %mul3A_1 = arith.constant 640 : i32
    %mul3A_2 = arith.muli %arg1, %mul3A_1 : i32
    %add3A_3 = arith.constant 0 : i32
    %add3A_4 = arith.addi %mul3A_2, %add3A_3 : i32
    "tpu.region"() ({
      %run_scoped3A_94 = tpu.sem_alloc : memref<!tpu.dma_semaphore, #tpu.memory_space<semaphore_mem>>
      %dma_start3A_95 = arith.constant 0 : i32
      %dma_start3A_96 = tpu.memref_slice %arg13[%add3A_4, %dma_start3A_95] : memref<10240x128xf32, #tpu.memory_space<vmem_shared>> -> memref<128x128xf32, #tpu.memory_space<vmem_shared>>
      tpu.enqueue_dma source(%arg5 : memref<128x128xf32, #tpu.memory_space<hbm>>) target(%dma_start3A_96 : memref<128x128xf32, #tpu.memory_space<vmem_shared>>) target_semaphore(%run_scoped3A_94 : memref<!tpu.dma_semaphore, #tpu.memory_space<semaphore_mem>>)
      %dma_wait3A_97 = arith.constant 0 : i32
      %dma_wait3A_98 = tpu.memref_slice %arg13[%add3A_4, %dma_wait3A_97] : memref<10240x128xf32, #tpu.memory_space<vmem_shared>> -> memref<128x128xf32, #tpu.memory_space<vmem_shared>>
      tpu.wait_dma2 semaphore(%run_scoped3A_94 : memref<!tpu.dma_semaphore, #tpu.memory_space<semaphore_mem>>) src(%arg5 : memref<128x128xf32, #tpu.memory_space<hbm>>) dst(%dma_wait3A_98 : memref<128x128xf32, #tpu.memory_space<vmem_shared>>)
      tpu.yield
    }) : () -> ()
    %mul3A_5 = arith.constant 640 : i32
    %mul3A_6 = arith.muli %arg1, %mul3A_5 : i32
    %add3A_7 = arith.constant 128 : i32
    %add3A_8 = arith.addi %mul3A_6, %add3A_7 : i32
    "tpu.region"() ({
      %run_scoped3A_94 = tpu.sem_alloc : memref<!tpu.dma_semaphore, #tpu.memory_space<semaphore_mem>>
      %dma_start3A_95 = arith.constant 0 : i32
      %dma_start3A_96 = tpu.memref_slice %arg13[%add3A_8, %dma_start3A_95] : memref<10240x128xf32, #tpu.memory_space<vmem_shared>> -> memref<128x128xf32, #tpu.memory_space<vmem_shared>>
      tpu.enqueue_dma source(%arg5 : memref<128x128xf32, #tpu.memory_space<hbm>>) target(%dma_start3A_96 : memref<128x128xf32, #tpu.memory_space<vmem_shared>>) target_semaphore(%run_scoped3A_94 : memref<!tpu.dma_semaphore, #tpu.memory_space<semaphore_mem>>)
      %dma_wait3A_97 = arith.constant 0 : i32
      %dma_wait3A_98 = tpu.memref_slice %arg13[%add3A_8, %dma_wait3A_97] : memref<10240x128xf32, #tpu.memory_space<vmem_shared>> -> memref<128x128xf32, #tpu.memory_space<vmem_shared>>
      tpu.wait_dma2 semaphore(%run_scoped3A_94 : memref<!tpu.dma_semaphore, #tpu.memory_space<semaphore_mem>>) src(%arg5 : memref<128x128xf32, #tpu.memory_space<hbm>>) dst(%dma_wait3A_98 : memref<128x128xf32, #tpu.memory_space<vmem_shared>>)
      tpu.yield
    }) : () -> ()
    %mul3A_9 = arith.constant 640 : i32
    %mul3A_10 = arith.muli %arg1, %mul3A_9 : i32
    %add3A_11 = arith.constant 256 : i32
    %add3A_12 = arith.addi %mul3A_10, %add3A_11 : i32
    "tpu.region"() ({
      %run_scoped3A_94 = tpu.sem_alloc : memref<!tpu.dma_semaphore, #tpu.memory_space<semaphore_mem>>
      %dma_start3A_95 = arith.constant 0 : i32
      %dma_start3A_96 = tpu.memref_slice %arg13[%add3A_12, %dma_start3A_95] : memref<10240x128xf32, #tpu.memory_space<vmem_shared>> -> memref<128x128xf32, #tpu.memory_space<vmem_shared>>
      tpu.enqueue_dma source(%arg5 : memref<128x128xf32, #tpu.memory_space<hbm>>) target(%dma_start3A_96 : memref<128x128xf32, #tpu.memory_space<vmem_shared>>) target_semaphore(%run_scoped3A_94 : memref<!tpu.dma_semaphore, #tpu.memory_space<semaphore_mem>>)
      %dma_wait3A_97 = arith.constant 0 : i32
      %dma_wait3A_98 = tpu.memref_slice %arg13[%add3A_12, %dma_wait3A_97] : memref<10240x128xf32, #tpu.memory_space<vmem_shared>> -> memref<128x128xf32, #tpu.memory_space<vmem_shared>>
      tpu.wait_dma2 semaphore(%run_scoped3A_94 : memref<!tpu.dma_semaphore, #tpu.memory_space<semaphore_mem>>) src(%arg5 : memref<128x128xf32, #tpu.memory_space<hbm>>) dst(%dma_wait3A_98 : memref<128x128xf32, #tpu.memory_space<vmem_shared>>)
      tpu.yield
    }) : () -> ()
    %mul3A_13 = arith.constant 640 : i32
    %mul3A_14 = arith.muli %arg1, %mul3A_13 : i32
    %add3A_15 = arith.constant 384 : i32
    %add3A_16 = arith.addi %mul3A_14, %add3A_15 : i32
    "tpu.region"() ({
      %run_scoped3A_94 = tpu.sem_alloc : memref<!tpu.dma_semaphore, #tpu.memory_space<semaphore_mem>>
      %dma_start3A_95 = arith.constant 0 : i32
      %dma_start3A_96 = tpu.memref_slice %arg13[%add3A_16, %dma_start3A_95] : memref<10240x128xf32, #tpu.memory_space<vmem_shared>> -> memref<128x128xf32, #tpu.memory_space<vmem_shared>>
      tpu.enqueue_dma source(%arg5 : memref<128x128xf32, #tpu.memory_space<hbm>>) target(%dma_start3A_96 : memref<128x128xf32, #tpu.memory_space<vmem_shared>>) target_semaphore(%run_scoped3A_94 : memref<!tpu.dma_semaphore, #tpu.memory_space<semaphore_mem>>)
      %dma_wait3A_97 = arith.constant 0 : i32
      %dma_wait3A_98 = tpu.memref_slice %arg13[%add3A_16, %dma_wait3A_97] : memref<10240x128xf32, #tpu.memory_space<vmem_shared>> -> memref<128x128xf32, #tpu.memory_space<vmem_shared>>
      tpu.wait_dma2 semaphore(%run_scoped3A_94 : memref<!tpu.dma_semaphore, #tpu.memory_space<semaphore_mem>>) src(%arg5 : memref<128x128xf32, #tpu.memory_space<hbm>>) dst(%dma_wait3A_98 : memref<128x128xf32, #tpu.memory_space<vmem_shared>>)
      tpu.yield
    }) : () -> ()
    %mul3A_17 = arith.constant 640 : i32
    %mul3A_18 = arith.muli %arg1, %mul3A_17 : i32
    %add3A_19 = arith.constant 512 : i32
    %add3A_20 = arith.addi %mul3A_18, %add3A_19 : i32
    "tpu.region"() ({
      %run_scoped3A_94 = tpu.sem_alloc : memref<!tpu.dma_semaphore, #tpu.memory_space<semaphore_mem>>
      %dma_start3A_95 = arith.constant 0 : i32
      %dma_start3A_96 = tpu.memref_slice %arg13[%add3A_20, %dma_start3A_95] : memref<10240x128xf32, #tpu.memory_space<vmem_shared>> -> memref<128x128xf32, #tpu.memory_space<vmem_shared>>
      tpu.enqueue_dma source(%arg5 : memref<128x128xf32, #tpu.memory_space<hbm>>) target(%dma_start3A_96 : memref<128x128xf32, #tpu.memory_space<vmem_shared>>) target_semaphore(%run_scoped3A_94 : memref<!tpu.dma_semaphore, #tpu.memory_space<semaphore_mem>>)
      %dma_wait3A_97 = arith.constant 0 : i32
      %dma_wait3A_98 = tpu.memref_slice %arg13[%add3A_20, %dma_wait3A_97] : memref<10240x128xf32, #tpu.memory_space<vmem_shared>> -> memref<128x128xf32, #tpu.memory_space<vmem_shared>>
      tpu.wait_dma2 semaphore(%run_scoped3A_94 : memref<!tpu.dma_semaphore, #tpu.memory_space<semaphore_mem>>) src(%arg5 : memref<128x128xf32, #tpu.memory_space<hbm>>) dst(%dma_wait3A_98 : memref<128x128xf32, #tpu.memory_space<vmem_shared>>)
      tpu.yield
    }) : () -> ()
    %barrier3A = arith.constant 0 : index
    tpu.barrier barrier_id(%barrier3A)
    "tpu.region"() ({
      %run_scoped3A_94 = tpu.sem_alloc : memref<!tpu.dma_semaphore, #tpu.memory_space<semaphore_mem>>
      %dma_start3A_95 = arith.constant 0 : i32
      %dma_start3A_96 = arith.constant 0 : i32
      %dma_start3A_97 = tpu.memref_slice %arg3[%add3A, %dma_start3A_95, %dma_start3A_96] : memref<32x80x128xi32, #tpu.memory_space<hbm>> -> memref<1x40x128xi32, #tpu.memory_space<hbm>>
      %dma_start3A_98 = tpu.memref_squeeze %dma_start3A_97 : memref<1x40x128xi32, #tpu.memory_space<hbm>> -> memref<40x128xi32, #tpu.memory_space<hbm>>
      %dma_start3A_99 = arith.constant 0 : i32
      %dma_start3A_100 = arith.constant 0 : i32
      %dma_start3A_101 = tpu.memref_slice %arg3[%add3A, %dma_start3A_99, %dma_start3A_100] : memref<32x80x128xi32, #tpu.memory_space<hbm>> -> memref<1x40x128xi32, #tpu.memory_space<hbm>>
      %dma_start3A_102 = tpu.memref_squeeze %dma_start3A_101 : memref<1x40x128xi32, #tpu.memory_space<hbm>> -> memref<40x128xi32, #tpu.memory_space<hbm>>
      tpu.enqueue_dma source(%dma_start3A_102 : memref<40x128xi32, #tpu.memory_space<hbm>>) target(%arg7 : memref<40x128xi32, #tpu.memory_space<vmem>>) target_semaphore(%run_scoped3A_94 : memref<!tpu.dma_semaphore, #tpu.memory_space<semaphore_mem>>)
      %dma_wait3A_103 = arith.constant 0 : i32
      %dma_wait3A_104 = arith.constant 0 : i32
      %dma_wait3A_105 = tpu.memref_slice %arg3[%add3A, %dma_wait3A_103, %dma_wait3A_104] : memref<32x80x128xi32, #tpu.memory_space<hbm>> -> memref<1x40x128xi32, #tpu.memory_space<hbm>>
      %dma_wait3A_106 = tpu.memref_squeeze %dma_wait3A_105 : memref<1x40x128xi32, #tpu.memory_space<hbm>> -> memref<40x128xi32, #tpu.memory_space<hbm>>
      %dma_wait3A_107 = arith.constant 0 : i32
      %dma_wait3A_108 = arith.constant 0 : i32
      %dma_wait3A_109 = tpu.memref_slice %arg3[%add3A, %dma_wait3A_107, %dma_wait3A_108] : memref<32x80x128xi32, #tpu.memory_space<hbm>> -> memref<1x40x128xi32, #tpu.memory_space<hbm>>
      %dma_wait3A_110 = tpu.memref_squeeze %dma_wait3A_109 : memref<1x40x128xi32, #tpu.memory_space<hbm>> -> memref<40x128xi32, #tpu.memory_space<hbm>>
      tpu.wait_dma2 semaphore(%run_scoped3A_94 : memref<!tpu.dma_semaphore, #tpu.memory_space<semaphore_mem>>) src(%dma_wait3A_110 : memref<40x128xi32, #tpu.memory_space<hbm>>) dst(%arg7 : memref<40x128xi32, #tpu.memory_space<vmem>>)
      tpu.yield
    }) : () -> ()
    "tpu.region"() ({
      %run_scoped3A_94 = tpu.sem_alloc : memref<!tpu.dma_semaphore, #tpu.memory_space<semaphore_mem>>
      %dma_start3A_95 = arith.constant 0 : i32
      %dma_start3A_96 = arith.constant 0 : i32
      %dma_start3A_97 = tpu.memref_slice %arg4[%add3A, %dma_start3A_95, %dma_start3A_96] : memref<32x80x128xi32, #tpu.memory_space<hbm>> -> memref<1x40x128xi32, #tpu.memory_space<hbm>>
      %dma_start3A_98 = tpu.memref_squeeze %dma_start3A_97 : memref<1x40x128xi32, #tpu.memory_space<hbm>> -> memref<40x128xi32, #tpu.memory_space<hbm>>
      %dma_start3A_99 = arith.constant 0 : i32
      %dma_start3A_100 = arith.constant 0 : i32
      %dma_start3A_101 = tpu.memref_slice %arg4[%add3A, %dma_start3A_99, %dma_start3A_100] : memref<32x80x128xi32, #tpu.memory_space<hbm>> -> memref<1x40x128xi32, #tpu.memory_space<hbm>>
      %dma_start3A_102 = tpu.memref_squeeze %dma_start3A_101 : memref<1x40x128xi32, #tpu.memory_space<hbm>> -> memref<40x128xi32, #tpu.memory_space<hbm>>
      tpu.enqueue_dma source(%dma_start3A_102 : memref<40x128xi32, #tpu.memory_space<hbm>>) target(%arg8 : memref<40x128xi32, #tpu.memory_space<vmem>>) target_semaphore(%run_scoped3A_94 : memref<!tpu.dma_semaphore, #tpu.memory_space<semaphore_mem>>)
      %dma_wait3A_103 = arith.constant 0 : i32
      %dma_wait3A_104 = arith.constant 0 : i32
      %dma_wait3A_105 = tpu.memref_slice %arg4[%add3A, %dma_wait3A_103, %dma_wait3A_104] : memref<32x80x128xi32, #tpu.memory_space<hbm>> -> memref<1x40x128xi32, #tpu.memory_space<hbm>>
      %dma_wait3A_106 = tpu.memref_squeeze %dma_wait3A_105 : memref<1x40x128xi32, #tpu.memory_space<hbm>> -> memref<40x128xi32, #tpu.memory_space<hbm>>
      %dma_wait3A_107 = arith.constant 0 : i32
      %dma_wait3A_108 = arith.constant 0 : i32
      %dma_wait3A_109 = tpu.memref_slice %arg4[%add3A, %dma_wait3A_107, %dma_wait3A_108] : memref<32x80x128xi32, #tpu.memory_space<hbm>> -> memref<1x40x128xi32, #tpu.memory_space<hbm>>
      %dma_wait3A_110 = tpu.memref_squeeze %dma_wait3A_109 : memref<1x40x128xi32, #tpu.memory_space<hbm>> -> memref<40x128xi32, #tpu.memory_space<hbm>>
      tpu.wait_dma2 semaphore(%run_scoped3A_94 : memref<!tpu.dma_semaphore, #tpu.memory_space<semaphore_mem>>) src(%dma_wait3A_110 : memref<40x128xi32, #tpu.memory_space<hbm>>) dst(%arg8 : memref<40x128xi32, #tpu.memory_space<vmem>>)
      tpu.yield
    }) : () -> ()
    %dma_start3A = arith.constant 0 : i32
    %dma_start3A_21 = arith.constant 0 : i32
    %dma_start3A_22 = tpu.memref_slice %arg8[%dma_start3A, %dma_start3A_21] : memref<40x128xi32, #tpu.memory_space<vmem>> -> memref<1x128xi32, #tpu.memory_space<vmem>>
    %dma_start3A_23 = tpu.memref_squeeze %dma_start3A_22 : memref<1x128xi32, #tpu.memory_space<vmem>> -> memref<128xi32, #tpu.memory_space<vmem>>
    %dma_start3A_24 = arith.constant 0 : i32
    %dma_start3A_25 = arith.constant 0 : i32
    %dma_start3A_26 = tpu.memref_slice %arg2[%dma_start3A_24, %dma_start3A_25] : memref<10240x128xf32, #tpu.memory_space<hbm>> -> memref<10240x128xf32, #tpu.memory_space<hbm>>
    tpu.enqueue_indirect_dma source(%dma_start3A_26 : memref<10240x128xf32, #tpu.memory_space<hbm>>) target(%arg9 : memref<128x128xf32, #tpu.memory_space<vmem>>) offsets(%dma_start3A_23 : memref<128xi32, #tpu.memory_space<vmem>>) semaphore(%arg11 : memref<!tpu.dma_semaphore, #tpu.memory_space<semaphore_mem>>)
    %scan3A = arith.constant 0 : i32
    %scan3A_27 = arith.constant 0 : i32
    %scan3A_28 = arith.constant 19 : i32
    %scan3A_29 = arith.addi %scan3A_27, %scan3A_28 : i32
    %scan3A_30 = arith.constant 1 : i32
    scf.for %scan3A_94 = %scan3A_27 to %scan3A_29 step %scan3A_30  : i32 {
      %mul3A_95 = arith.constant 2 : i32
      %mul3A_96 = arith.muli %mul3A_95, %scan3A_94 : i32
      %add3A_97 = arith.constant 1 : i32
      %add3A_98 = arith.addi %mul3A_96, %add3A_97 : i32
      %dma_start3A_99 = arith.constant 0 : i32
      %dma_start3A_100 = tpu.memref_slice %arg8[%add3A_98, %dma_start3A_99] : memref<40x128xi32, #tpu.memory_space<vmem>> -> memref<1x128xi32, #tpu.memory_space<vmem>>
      %dma_start3A_101 = tpu.memref_squeeze %dma_start3A_100 : memref<1x128xi32, #tpu.memory_space<vmem>> -> memref<128xi32, #tpu.memory_space<vmem>>
      %dma_start3A_102 = arith.constant 0 : i32
      %dma_start3A_103 = arith.constant 0 : i32
      %dma_start3A_104 = tpu.memref_slice %arg2[%dma_start3A_102, %dma_start3A_103] : memref<10240x128xf32, #tpu.memory_space<hbm>> -> memref<10240x128xf32, #tpu.memory_space<hbm>>
      tpu.enqueue_indirect_dma source(%dma_start3A_104 : memref<10240x128xf32, #tpu.memory_space<hbm>>) target(%arg10 : memref<128x128xf32, #tpu.memory_space<vmem>>) offsets(%dma_start3A_101 : memref<128xi32, #tpu.memory_space<vmem>>) semaphore(%arg12 : memref<!tpu.dma_semaphore, #tpu.memory_space<semaphore_mem>>)
      %dma_wait3A_105 = arith.constant 0 : i32
      %dma_wait3A_106 = tpu.memref_slice %arg8[%mul3A_96, %dma_wait3A_105] : memref<40x128xi32, #tpu.memory_space<vmem>> -> memref<1x128xi32, #tpu.memory_space<vmem>>
      %dma_wait3A_107 = tpu.memref_squeeze %dma_wait3A_106 : memref<1x128xi32, #tpu.memory_space<vmem>> -> memref<128xi32, #tpu.memory_space<vmem>>
      %dma_wait3A_108 = arith.constant 0 : i32
      %dma_wait3A_109 = arith.constant 0 : i32
      %dma_wait3A_110 = tpu.memref_slice %arg2[%dma_wait3A_108, %dma_wait3A_109] : memref<10240x128xf32, #tpu.memory_space<hbm>> -> memref<10240x128xf32, #tpu.memory_space<hbm>>
      tpu.wait_indirect_dma semaphore(%arg11 : memref<!tpu.dma_semaphore, #tpu.memory_space<semaphore_mem>>) src(%dma_wait3A_110 : memref<10240x128xf32, #tpu.memory_space<hbm>>) dst(%arg9 : memref<128x128xf32, #tpu.memory_space<vmem>>)
      "tpu.region"() ({
        %run_scoped3A_129 = tpu.sem_alloc : memref<!tpu.dma_semaphore, #tpu.memory_space<semaphore_mem>>
        %dma_start3A_130 = arith.constant 0 : i32
        %dma_start3A_131 = tpu.memref_slice %arg7[%mul3A_96, %dma_start3A_130] : memref<40x128xi32, #tpu.memory_space<vmem>> -> memref<1x128xi32, #tpu.memory_space<vmem>>
        %dma_start3A_132 = tpu.memref_squeeze %dma_start3A_131 : memref<1x128xi32, #tpu.memory_space<vmem>> -> memref<128xi32, #tpu.memory_space<vmem>>
        %dma_start3A_133 = arith.constant 0 : i32
        %dma_start3A_134 = arith.constant 0 : i32
        %dma_start3A_135 = tpu.memref_slice %arg13[%dma_start3A_133, %dma_start3A_134] : memref<10240x128xf32, #tpu.memory_space<vmem_shared>> -> memref<10240x128xf32, #tpu.memory_space<vmem_shared>>
        tpu.enqueue_indirect_dma source(%arg9 : memref<128x128xf32, #tpu.memory_space<vmem>>) target(%dma_start3A_135 : memref<10240x128xf32, #tpu.memory_space<vmem_shared>>) offsets(%dma_start3A_132 : memref<128xi32, #tpu.memory_space<vmem>>) semaphore(%run_scoped3A_129 : memref<!tpu.dma_semaphore, #tpu.memory_space<semaphore_mem>>) {add = true}
        %dma_wait3A_136 = arith.constant 0 : i32
        %dma_wait3A_137 = tpu.memref_slice %arg7[%mul3A_96, %dma_wait3A_136] : memref<40x128xi32, #tpu.memory_space<vmem>> -> memref<1x128xi32, #tpu.memory_space<vmem>>
        %dma_wait3A_138 = tpu.memref_squeeze %dma_wait3A_137 : memref<1x128xi32, #tpu.memory_space<vmem>> -> memref<128xi32, #tpu.memory_space<vmem>>
        %dma_wait3A_139 = arith.constant 0 : i32
        %dma_wait3A_140 = arith.constant 0 : i32
        %dma_wait3A_141 = tpu.memref_slice %arg13[%dma_wait3A_139, %dma_wait3A_140] : memref<10240x128xf32, #tpu.memory_space<vmem_shared>> -> memref<10240x128xf32, #tpu.memory_space<vmem_shared>>
        tpu.wait_indirect_dma semaphore(%run_scoped3A_129 : memref<!tpu.dma_semaphore, #tpu.memory_space<semaphore_mem>>) src(%arg9 : memref<128x128xf32, #tpu.memory_space<vmem>>) dst(%dma_wait3A_141 : memref<10240x128xf32, #tpu.memory_space<vmem_shared>>)
        tpu.yield
      }) : () -> ()
      %add3A_111 = arith.constant 2 : i32
      %add3A_112 = arith.addi %mul3A_96, %add3A_111 : i32
      %dma_start3A_113 = arith.constant 0 : i32
      %dma_start3A_114 = tpu.memref_slice %arg8[%add3A_112, %dma_start3A_113] : memref<40x128xi32, #tpu.memory_space<vmem>> -> memref<1x128xi32, #tpu.memory_space<vmem>>
      %dma_start3A_115 = tpu.memref_squeeze %dma_start3A_114 : memref<1x128xi32, #tpu.memory_space<vmem>> -> memref<128xi32, #tpu.memory_space<vmem>>
      %dma_start3A_116 = arith.constant 0 : i32
      %dma_start3A_117 = arith.constant 0 : i32
      %dma_start3A_118 = tpu.memref_slice %arg2[%dma_start3A_116, %dma_start3A_117] : memref<10240x128xf32, #tpu.memory_space<hbm>> -> memref<10240x128xf32, #tpu.memory_space<hbm>>
      tpu.enqueue_indirect_dma source(%dma_start3A_118 : memref<10240x128xf32, #tpu.memory_space<hbm>>) target(%arg9 : memref<128x128xf32, #tpu.memory_space<vmem>>) offsets(%dma_start3A_115 : memref<128xi32, #tpu.memory_space<vmem>>) semaphore(%arg11 : memref<!tpu.dma_semaphore, #tpu.memory_space<semaphore_mem>>)
      %add3A_119 = arith.constant 1 : i32
      %add3A_120 = arith.addi %mul3A_96, %add3A_119 : i32
      %dma_wait3A_121 = arith.constant 0 : i32
      %dma_wait3A_122 = tpu.memref_slice %arg8[%add3A_120, %dma_wait3A_121] : memref<40x128xi32, #tpu.memory_space<vmem>> -> memref<1x128xi32, #tpu.memory_space<vmem>>
      %dma_wait3A_123 = tpu.memref_squeeze %dma_wait3A_122 : memref<1x128xi32, #tpu.memory_space<vmem>> -> memref<128xi32, #tpu.memory_space<vmem>>
      %dma_wait3A_124 = arith.constant 0 : i32
      %dma_wait3A_125 = arith.constant 0 : i32
      %dma_wait3A_126 = tpu.memref_slice %arg2[%dma_wait3A_124, %dma_wait3A_125] : memref<10240x128xf32, #tpu.memory_space<hbm>> -> memref<10240x128xf32, #tpu.memory_space<hbm>>
      tpu.wait_indirect_dma semaphore(%arg12 : memref<!tpu.dma_semaphore, #tpu.memory_space<semaphore_mem>>) src(%dma_wait3A_126 : memref<10240x128xf32, #tpu.memory_space<hbm>>) dst(%arg10 : memref<128x128xf32, #tpu.memory_space<vmem>>)
      %add3A_127 = arith.constant 1 : i32
      %add3A_128 = arith.addi %mul3A_96, %add3A_127 : i32
      "tpu.region"() ({
        %run_scoped3A_129 = tpu.sem_alloc : memref<!tpu.dma_semaphore, #tpu.memory_space<semaphore_mem>>
        %dma_start3A_130 = arith.constant 0 : i32
        %dma_start3A_131 = tpu.memref_slice %arg7[%add3A_128, %dma_start3A_130] : memref<40x128xi32, #tpu.memory_space<vmem>> -> memref<1x128xi32, #tpu.memory_space<vmem>>
        %dma_start3A_132 = tpu.memref_squeeze %dma_start3A_131 : memref<1x128xi32, #tpu.memory_space<vmem>> -> memref<128xi32, #tpu.memory_space<vmem>>
        %dma_start3A_133 = arith.constant 0 : i32
        %dma_start3A_134 = arith.constant 0 : i32
        %dma_start3A_135 = tpu.memref_slice %arg13[%dma_start3A_133, %dma_start3A_134] : memref<10240x128xf32, #tpu.memory_space<vmem_shared>> -> memref<10240x128xf32, #tpu.memory_space<vmem_shared>>
        tpu.enqueue_indirect_dma source(%arg10 : memref<128x128xf32, #tpu.memory_space<vmem>>) target(%dma_start3A_135 : memref<10240x128xf32, #tpu.memory_space<vmem_shared>>) offsets(%dma_start3A_132 : memref<128xi32, #tpu.memory_space<vmem>>) semaphore(%run_scoped3A_129 : memref<!tpu.dma_semaphore, #tpu.memory_space<semaphore_mem>>) {add = true}
        %dma_wait3A_136 = arith.constant 0 : i32
        %dma_wait3A_137 = tpu.memref_slice %arg7[%add3A_128, %dma_wait3A_136] : memref<40x128xi32, #tpu.memory_space<vmem>> -> memref<1x128xi32, #tpu.memory_space<vmem>>
        %dma_wait3A_138 = tpu.memref_squeeze %dma_wait3A_137 : memref<1x128xi32, #tpu.memory_space<vmem>> -> memref<128xi32, #tpu.memory_space<vmem>>
        %dma_wait3A_139 = arith.constant 0 : i32
        %dma_wait3A_140 = arith.constant 0 : i32
        %dma_wait3A_141 = tpu.memref_slice %arg13[%dma_wait3A_139, %dma_wait3A_140] : memref<10240x128xf32, #tpu.memory_space<vmem_shared>> -> memref<10240x128xf32, #tpu.memory_space<vmem_shared>>
        tpu.wait_indirect_dma semaphore(%run_scoped3A_129 : memref<!tpu.dma_semaphore, #tpu.memory_space<semaphore_mem>>) src(%arg10 : memref<128x128xf32, #tpu.memory_space<vmem>>) dst(%dma_wait3A_141 : memref<10240x128xf32, #tpu.memory_space<vmem_shared>>)
        tpu.yield
      }) : () -> ()
    }
    %scan3A_31 = arith.constant 19 : i32
    %dma_start3A_32 = arith.constant 39 : i32
    %dma_start3A_33 = arith.constant 0 : i32
    %dma_start3A_34 = tpu.memref_slice %arg8[%dma_start3A_32, %dma_start3A_33] : memref<40x128xi32, #tpu.memory_space<vmem>> -> memref<1x128xi32, #tpu.memory_space<vmem>>
    %dma_start3A_35 = tpu.memref_squeeze %dma_start3A_34 : memref<1x128xi32, #tpu.memory_space<vmem>> -> memref<128xi32, #tpu.memory_space<vmem>>
    %dma_start3A_36 = arith.constant 0 : i32
    %dma_start3A_37 = arith.constant 0 : i32
    %dma_start3A_38 = tpu.memref_slice %arg2[%dma_start3A_36, %dma_start3A_37] : memref<10240x128xf32, #tpu.memory_space<hbm>> -> memref<10240x128xf32, #tpu.memory_space<hbm>>
    tpu.enqueue_indirect_dma source(%dma_start3A_38 : memref<10240x128xf32, #tpu.memory_space<hbm>>) target(%arg10 : memref<128x128xf32, #tpu.memory_space<vmem>>) offsets(%dma_start3A_35 : memref<128xi32, #tpu.memory_space<vmem>>) semaphore(%arg12 : memref<!tpu.dma_semaphore, #tpu.memory_space<semaphore_mem>>)
    %dma_wait3A = arith.constant 38 : i32
    %dma_wait3A_39 = arith.constant 0 : i32
    %dma_wait3A_40 = tpu.memref_slice %arg8[%dma_wait3A, %dma_wait3A_39] : memref<40x128xi32, #tpu.memory_space<vmem>> -> memref<1x128xi32, #tpu.memory_space<vmem>>
    %dma_wait3A_41 = tpu.memref_squeeze %dma_wait3A_40 : memref<1x128xi32, #tpu.memory_space<vmem>> -> memref<128xi32, #tpu.memory_space<vmem>>
    %dma_wait3A_42 = arith.constant 0 : i32
    %dma_wait3A_43 = arith.constant 0 : i32
    %dma_wait3A_44 = tpu.memref_slice %arg2[%dma_wait3A_42, %dma_wait3A_43] : memref<10240x128xf32, #tpu.memory_space<hbm>> -> memref<10240x128xf32, #tpu.memory_space<hbm>>
    tpu.wait_indirect_dma semaphore(%arg11 : memref<!tpu.dma_semaphore, #tpu.memory_space<semaphore_mem>>) src(%dma_wait3A_44 : memref<10240x128xf32, #tpu.memory_space<hbm>>) dst(%arg9 : memref<128x128xf32, #tpu.memory_space<vmem>>)
    %run_scoped3A = arith.constant 38 : i32
    "tpu.region"() ({
      %run_scoped3A_94 = tpu.sem_alloc : memref<!tpu.dma_semaphore, #tpu.memory_space<semaphore_mem>>
      %dma_start3A_95 = arith.constant 0 : i32
      %dma_start3A_96 = tpu.memref_slice %arg7[%run_scoped3A, %dma_start3A_95] : memref<40x128xi32, #tpu.memory_space<vmem>> -> memref<1x128xi32, #tpu.memory_space<vmem>>
      %dma_start3A_97 = tpu.memref_squeeze %dma_start3A_96 : memref<1x128xi32, #tpu.memory_space<vmem>> -> memref<128xi32, #tpu.memory_space<vmem>>
      %dma_start3A_98 = arith.constant 0 : i32
      %dma_start3A_99 = arith.constant 0 : i32
      %dma_start3A_100 = tpu.memref_slice %arg13[%dma_start3A_98, %dma_start3A_99] : memref<10240x128xf32, #tpu.memory_space<vmem_shared>> -> memref<10240x128xf32, #tpu.memory_space<vmem_shared>>
      tpu.enqueue_indirect_dma source(%arg9 : memref<128x128xf32, #tpu.memory_space<vmem>>) target(%dma_start3A_100 : memref<10240x128xf32, #tpu.memory_space<vmem_shared>>) offsets(%dma_start3A_97 : memref<128xi32, #tpu.memory_space<vmem>>) semaphore(%run_scoped3A_94 : memref<!tpu.dma_semaphore, #tpu.memory_space<semaphore_mem>>) {add = true}
      %dma_wait3A_101 = arith.constant 0 : i32
      %dma_wait3A_102 = tpu.memref_slice %arg7[%run_scoped3A, %dma_wait3A_101] : memref<40x128xi32, #tpu.memory_space<vmem>> -> memref<1x128xi32, #tpu.memory_space<vmem>>
      %dma_wait3A_103 = tpu.memref_squeeze %dma_wait3A_102 : memref<1x128xi32, #tpu.memory_space<vmem>> -> memref<128xi32, #tpu.memory_space<vmem>>
      %dma_wait3A_104 = arith.constant 0 : i32
      %dma_wait3A_105 = arith.constant 0 : i32
      %dma_wait3A_106 = tpu.memref_slice %arg13[%dma_wait3A_104, %dma_wait3A_105] : memref<10240x128xf32, #tpu.memory_space<vmem_shared>> -> memref<10240x128xf32, #tpu.memory_space<vmem_shared>>
      tpu.wait_indirect_dma semaphore(%run_scoped3A_94 : memref<!tpu.dma_semaphore, #tpu.memory_space<semaphore_mem>>) src(%arg9 : memref<128x128xf32, #tpu.memory_space<vmem>>) dst(%dma_wait3A_106 : memref<10240x128xf32, #tpu.memory_space<vmem_shared>>)
      tpu.yield
    }) : () -> ()
    %dma_wait3A_45 = arith.constant 39 : i32
    %dma_wait3A_46 = arith.constant 0 : i32
    %dma_wait3A_47 = tpu.memref_slice %arg8[%dma_wait3A_45, %dma_wait3A_46] : memref<40x128xi32, #tpu.memory_space<vmem>> -> memref<1x128xi32, #tpu.memory_space<vmem>>
    %dma_wait3A_48 = tpu.memref_squeeze %dma_wait3A_47 : memref<1x128xi32, #tpu.memory_space<vmem>> -> memref<128xi32, #tpu.memory_space<vmem>>
    %dma_wait3A_49 = arith.constant 0 : i32
    %dma_wait3A_50 = arith.constant 0 : i32
    %dma_wait3A_51 = tpu.memref_slice %arg2[%dma_wait3A_49, %dma_wait3A_50] : memref<10240x128xf32, #tpu.memory_space<hbm>> -> memref<10240x128xf32, #tpu.memory_space<hbm>>
    tpu.wait_indirect_dma semaphore(%arg12 : memref<!tpu.dma_semaphore, #tpu.memory_space<semaphore_mem>>) src(%dma_wait3A_51 : memref<10240x128xf32, #tpu.memory_space<hbm>>) dst(%arg10 : memref<128x128xf32, #tpu.memory_space<vmem>>)
    %run_scoped3A_52 = arith.constant 39 : i32
    "tpu.region"() ({
      %run_scoped3A_94 = tpu.sem_alloc : memref<!tpu.dma_semaphore, #tpu.memory_space<semaphore_mem>>
      %dma_start3A_95 = arith.constant 0 : i32
      %dma_start3A_96 = tpu.memref_slice %arg7[%run_scoped3A_52, %dma_start3A_95] : memref<40x128xi32, #tpu.memory_space<vmem>> -> memref<1x128xi32, #tpu.memory_space<vmem>>
      %dma_start3A_97 = tpu.memref_squeeze %dma_start3A_96 : memref<1x128xi32, #tpu.memory_space<vmem>> -> memref<128xi32, #tpu.memory_space<vmem>>
      %dma_start3A_98 = arith.constant 0 : i32
      %dma_start3A_99 = arith.constant 0 : i32
      %dma_start3A_100 = tpu.memref_slice %arg13[%dma_start3A_98, %dma_start3A_99] : memref<10240x128xf32, #tpu.memory_space<vmem_shared>> -> memref<10240x128xf32, #tpu.memory_space<vmem_shared>>
      tpu.enqueue_indirect_dma source(%arg10 : memref<128x128xf32, #tpu.memory_space<vmem>>) target(%dma_start3A_100 : memref<10240x128xf32, #tpu.memory_space<vmem_shared>>) offsets(%dma_start3A_97 : memref<128xi32, #tpu.memory_space<vmem>>) semaphore(%run_scoped3A_94 : memref<!tpu.dma_semaphore, #tpu.memory_space<semaphore_mem>>) {add = true}
      %dma_wait3A_101 = arith.constant 0 : i32
      %dma_wait3A_102 = tpu.memref_slice %arg7[%run_scoped3A_52, %dma_wait3A_101] : memref<40x128xi32, #tpu.memory_space<vmem>> -> memref<1x128xi32, #tpu.memory_space<vmem>>
      %dma_wait3A_103 = tpu.memref_squeeze %dma_wait3A_102 : memref<1x128xi32, #tpu.memory_space<vmem>> -> memref<128xi32, #tpu.memory_space<vmem>>
      %dma_wait3A_104 = arith.constant 0 : i32
      %dma_wait3A_105 = arith.constant 0 : i32
      %dma_wait3A_106 = tpu.memref_slice %arg13[%dma_wait3A_104, %dma_wait3A_105] : memref<10240x128xf32, #tpu.memory_space<vmem_shared>> -> memref<10240x128xf32, #tpu.memory_space<vmem_shared>>
      tpu.wait_indirect_dma semaphore(%run_scoped3A_94 : memref<!tpu.dma_semaphore, #tpu.memory_space<semaphore_mem>>) src(%arg10 : memref<128x128xf32, #tpu.memory_space<vmem>>) dst(%dma_wait3A_106 : memref<10240x128xf32, #tpu.memory_space<vmem_shared>>)
      tpu.yield
    }) : () -> ()
    "tpu.region"() ({
      %run_scoped3A_94 = tpu.sem_alloc : memref<!tpu.dma_semaphore, #tpu.memory_space<semaphore_mem>>
      %dma_start3A_95 = arith.constant 40 : i32
      %dma_start3A_96 = arith.constant 0 : i32
      %dma_start3A_97 = tpu.memref_slice %arg3[%add3A, %dma_start3A_95, %dma_start3A_96] : memref<32x80x128xi32, #tpu.memory_space<hbm>> -> memref<1x40x128xi32, #tpu.memory_space<hbm>>
      %dma_start3A_98 = tpu.memref_squeeze %dma_start3A_97 : memref<1x40x128xi32, #tpu.memory_space<hbm>> -> memref<40x128xi32, #tpu.memory_space<hbm>>
      %dma_start3A_99 = arith.constant 40 : i32
      %dma_start3A_100 = arith.constant 0 : i32
      %dma_start3A_101 = tpu.memref_slice %arg3[%add3A, %dma_start3A_99, %dma_start3A_100] : memref<32x80x128xi32, #tpu.memory_space<hbm>> -> memref<1x40x128xi32, #tpu.memory_space<hbm>>
      %dma_start3A_102 = tpu.memref_squeeze %dma_start3A_101 : memref<1x40x128xi32, #tpu.memory_space<hbm>> -> memref<40x128xi32, #tpu.memory_space<hbm>>
      tpu.enqueue_dma source(%dma_start3A_102 : memref<40x128xi32, #tpu.memory_space<hbm>>) target(%arg7 : memref<40x128xi32, #tpu.memory_space<vmem>>) target_semaphore(%run_scoped3A_94 : memref<!tpu.dma_semaphore, #tpu.memory_space<semaphore_mem>>)
      %dma_wait3A_103 = arith.constant 40 : i32
      %dma_wait3A_104 = arith.constant 0 : i32
      %dma_wait3A_105 = tpu.memref_slice %arg3[%add3A, %dma_wait3A_103, %dma_wait3A_104] : memref<32x80x128xi32, #tpu.memory_space<hbm>> -> memref<1x40x128xi32, #tpu.memory_space<hbm>>
      %dma_wait3A_106 = tpu.memref_squeeze %dma_wait3A_105 : memref<1x40x128xi32, #tpu.memory_space<hbm>> -> memref<40x128xi32, #tpu.memory_space<hbm>>
      %dma_wait3A_107 = arith.constant 40 : i32
      %dma_wait3A_108 = arith.constant 0 : i32
      %dma_wait3A_109 = tpu.memref_slice %arg3[%add3A, %dma_wait3A_107, %dma_wait3A_108] : memref<32x80x128xi32, #tpu.memory_space<hbm>> -> memref<1x40x128xi32, #tpu.memory_space<hbm>>
      %dma_wait3A_110 = tpu.memref_squeeze %dma_wait3A_109 : memref<1x40x128xi32, #tpu.memory_space<hbm>> -> memref<40x128xi32, #tpu.memory_space<hbm>>
      tpu.wait_dma2 semaphore(%run_scoped3A_94 : memref<!tpu.dma_semaphore, #tpu.memory_space<semaphore_mem>>) src(%dma_wait3A_110 : memref<40x128xi32, #tpu.memory_space<hbm>>) dst(%arg7 : memref<40x128xi32, #tpu.memory_space<vmem>>)
      tpu.yield
    }) : () -> ()
    "tpu.region"() ({
      %run_scoped3A_94 = tpu.sem_alloc : memref<!tpu.dma_semaphore, #tpu.memory_space<semaphore_mem>>
      %dma_start3A_95 = arith.constant 40 : i32
      %dma_start3A_96 = arith.constant 0 : i32
      %dma_start3A_97 = tpu.memref_slice %arg4[%add3A, %dma_start3A_95, %dma_start3A_96] : memref<32x80x128xi32, #tpu.memory_space<hbm>> -> memref<1x40x128xi32, #tpu.memory_space<hbm>>
      %dma_start3A_98 = tpu.memref_squeeze %dma_start3A_97 : memref<1x40x128xi32, #tpu.memory_space<hbm>> -> memref<40x128xi32, #tpu.memory_space<hbm>>
      %dma_start3A_99 = arith.constant 40 : i32
      %dma_start3A_100 = arith.constant 0 : i32
      %dma_start3A_101 = tpu.memref_slice %arg4[%add3A, %dma_start3A_99, %dma_start3A_100] : memref<32x80x128xi32, #tpu.memory_space<hbm>> -> memref<1x40x128xi32, #tpu.memory_space<hbm>>
      %dma_start3A_102 = tpu.memref_squeeze %dma_start3A_101 : memref<1x40x128xi32, #tpu.memory_space<hbm>> -> memref<40x128xi32, #tpu.memory_space<hbm>>
      tpu.enqueue_dma source(%dma_start3A_102 : memref<40x128xi32, #tpu.memory_space<hbm>>) target(%arg8 : memref<40x128xi32, #tpu.memory_space<vmem>>) target_semaphore(%run_scoped3A_94 : memref<!tpu.dma_semaphore, #tpu.memory_space<semaphore_mem>>)
      %dma_wait3A_103 = arith.constant 40 : i32
      %dma_wait3A_104 = arith.constant 0 : i32
      %dma_wait3A_105 = tpu.memref_slice %arg4[%add3A, %dma_wait3A_103, %dma_wait3A_104] : memref<32x80x128xi32, #tpu.memory_space<hbm>> -> memref<1x40x128xi32, #tpu.memory_space<hbm>>
      %dma_wait3A_106 = tpu.memref_squeeze %dma_wait3A_105 : memref<1x40x128xi32, #tpu.memory_space<hbm>> -> memref<40x128xi32, #tpu.memory_space<hbm>>
      %dma_wait3A_107 = arith.constant 40 : i32
      %dma_wait3A_108 = arith.constant 0 : i32
      %dma_wait3A_109 = tpu.memref_slice %arg4[%add3A, %dma_wait3A_107, %dma_wait3A_108] : memref<32x80x128xi32, #tpu.memory_space<hbm>> -> memref<1x40x128xi32, #tpu.memory_space<hbm>>
      %dma_wait3A_110 = tpu.memref_squeeze %dma_wait3A_109 : memref<1x40x128xi32, #tpu.memory_space<hbm>> -> memref<40x128xi32, #tpu.memory_space<hbm>>
      tpu.wait_dma2 semaphore(%run_scoped3A_94 : memref<!tpu.dma_semaphore, #tpu.memory_space<semaphore_mem>>) src(%dma_wait3A_110 : memref<40x128xi32, #tpu.memory_space<hbm>>) dst(%arg8 : memref<40x128xi32, #tpu.memory_space<vmem>>)
      tpu.yield
    }) : () -> ()
    %dma_start3A_53 = arith.constant 0 : i32
    %dma_start3A_54 = arith.constant 0 : i32
    %dma_start3A_55 = tpu.memref_slice %arg8[%dma_start3A_53, %dma_start3A_54] : memref<40x128xi32, #tpu.memory_space<vmem>> -> memref<1x128xi32, #tpu.memory_space<vmem>>
    %dma_start3A_56 = tpu.memref_squeeze %dma_start3A_55 : memref<1x128xi32, #tpu.memory_space<vmem>> -> memref<128xi32, #tpu.memory_space<vmem>>
    %dma_start3A_57 = arith.constant 0 : i32
    %dma_start3A_58 = arith.constant 0 : i32
    %dma_start3A_59 = tpu.memref_slice %arg2[%dma_start3A_57, %dma_start3A_58] : memref<10240x128xf32, #tpu.memory_space<hbm>> -> memref<10240x128xf32, #tpu.memory_space<hbm>>
    tpu.enqueue_indirect_dma source(%dma_start3A_59 : memref<10240x128xf32, #tpu.memory_space<hbm>>) target(%arg9 : memref<128x128xf32, #tpu.memory_space<vmem>>) offsets(%dma_start3A_56 : memref<128xi32, #tpu.memory_space<vmem>>) semaphore(%arg11 : memref<!tpu.dma_semaphore, #tpu.memory_space<semaphore_mem>>)
    %scan3A_60 = arith.constant 0 : i32
    %scan3A_61 = arith.constant 0 : i32
    %scan3A_62 = arith.constant 19 : i32
    %scan3A_63 = arith.addi %scan3A_61, %scan3A_62 : i32
    %scan3A_64 = arith.constant 1 : i32
    scf.for %scan3A_94 = %scan3A_61 to %scan3A_63 step %scan3A_64  : i32 {
      %mul3A_95 = arith.constant 2 : i32
      %mul3A_96 = arith.muli %mul3A_95, %scan3A_94 : i32
      %add3A_97 = arith.constant 1 : i32
      %add3A_98 = arith.addi %mul3A_96, %add3A_97 : i32
      %dma_start3A_99 = arith.constant 0 : i32
      %dma_start3A_100 = tpu.memref_slice %arg8[%add3A_98, %dma_start3A_99] : memref<40x128xi32, #tpu.memory_space<vmem>> -> memref<1x128xi32, #tpu.memory_space<vmem>>
      %dma_start3A_101 = tpu.memref_squeeze %dma_start3A_100 : memref<1x128xi32, #tpu.memory_space<vmem>> -> memref<128xi32, #tpu.memory_space<vmem>>
      %dma_start3A_102 = arith.constant 0 : i32
      %dma_start3A_103 = arith.constant 0 : i32
      %dma_start3A_104 = tpu.memref_slice %arg2[%dma_start3A_102, %dma_start3A_103] : memref<10240x128xf32, #tpu.memory_space<hbm>> -> memref<10240x128xf32, #tpu.memory_space<hbm>>
      tpu.enqueue_indirect_dma source(%dma_start3A_104 : memref<10240x128xf32, #tpu.memory_space<hbm>>) target(%arg10 : memref<128x128xf32, #tpu.memory_space<vmem>>) offsets(%dma_start3A_101 : memref<128xi32, #tpu.memory_space<vmem>>) semaphore(%arg12 : memref<!tpu.dma_semaphore, #tpu.memory_space<semaphore_mem>>)
      %dma_wait3A_105 = arith.constant 0 : i32
      %dma_wait3A_106 = tpu.memref_slice %arg8[%mul3A_96, %dma_wait3A_105] : memref<40x128xi32, #tpu.memory_space<vmem>> -> memref<1x128xi32, #tpu.memory_space<vmem>>
      %dma_wait3A_107 = tpu.memref_squeeze %dma_wait3A_106 : memref<1x128xi32, #tpu.memory_space<vmem>> -> memref<128xi32, #tpu.memory_space<vmem>>
      %dma_wait3A_108 = arith.constant 0 : i32
      %dma_wait3A_109 = arith.constant 0 : i32
      %dma_wait3A_110 = tpu.memref_slice %arg2[%dma_wait3A_108, %dma_wait3A_109] : memref<10240x128xf32, #tpu.memory_space<hbm>> -> memref<10240x128xf32, #tpu.memory_space<hbm>>
      tpu.wait_indirect_dma semaphore(%arg11 : memref<!tpu.dma_semaphore, #tpu.memory_space<semaphore_mem>>) src(%dma_wait3A_110 : memref<10240x128xf32, #tpu.memory_space<hbm>>) dst(%arg9 : memref<128x128xf32, #tpu.memory_space<vmem>>)
      "tpu.region"() ({
        %run_scoped3A_129 = tpu.sem_alloc : memref<!tpu.dma_semaphore, #tpu.memory_space<semaphore_mem>>
        %dma_start3A_130 = arith.constant 0 : i32
        %dma_start3A_131 = tpu.memref_slice %arg7[%mul3A_96, %dma_start3A_130] : memref<40x128xi32, #tpu.memory_space<vmem>> -> memref<1x128xi32, #tpu.memory_space<vmem>>
        %dma_start3A_132 = tpu.memref_squeeze %dma_start3A_131 : memref<1x128xi32, #tpu.memory_space<vmem>> -> memref<128xi32, #tpu.memory_space<vmem>>
        %dma_start3A_133 = arith.constant 0 : i32
        %dma_start3A_134 = arith.constant 0 : i32
        %dma_start3A_135 = tpu.memref_slice %arg13[%dma_start3A_133, %dma_start3A_134] : memref<10240x128xf32, #tpu.memory_space<vmem_shared>> -> memref<10240x128xf32, #tpu.memory_space<vmem_shared>>
        tpu.enqueue_indirect_dma source(%arg9 : memref<128x128xf32, #tpu.memory_space<vmem>>) target(%dma_start3A_135 : memref<10240x128xf32, #tpu.memory_space<vmem_shared>>) offsets(%dma_start3A_132 : memref<128xi32, #tpu.memory_space<vmem>>) semaphore(%run_scoped3A_129 : memref<!tpu.dma_semaphore, #tpu.memory_space<semaphore_mem>>) {add = true}
        %dma_wait3A_136 = arith.constant 0 : i32
        %dma_wait3A_137 = tpu.memref_slice %arg7[%mul3A_96, %dma_wait3A_136] : memref<40x128xi32, #tpu.memory_space<vmem>> -> memref<1x128xi32, #tpu.memory_space<vmem>>
        %dma_wait3A_138 = tpu.memref_squeeze %dma_wait3A_137 : memref<1x128xi32, #tpu.memory_space<vmem>> -> memref<128xi32, #tpu.memory_space<vmem>>
        %dma_wait3A_139 = arith.constant 0 : i32
        %dma_wait3A_140 = arith.constant 0 : i32
        %dma_wait3A_141 = tpu.memref_slice %arg13[%dma_wait3A_139, %dma_wait3A_140] : memref<10240x128xf32, #tpu.memory_space<vmem_shared>> -> memref<10240x128xf32, #tpu.memory_space<vmem_shared>>
        tpu.wait_indirect_dma semaphore(%run_scoped3A_129 : memref<!tpu.dma_semaphore, #tpu.memory_space<semaphore_mem>>) src(%arg9 : memref<128x128xf32, #tpu.memory_space<vmem>>) dst(%dma_wait3A_141 : memref<10240x128xf32, #tpu.memory_space<vmem_shared>>)
        tpu.yield
      }) : () -> ()
      %add3A_111 = arith.constant 2 : i32
      %add3A_112 = arith.addi %mul3A_96, %add3A_111 : i32
      %dma_start3A_113 = arith.constant 0 : i32
      %dma_start3A_114 = tpu.memref_slice %arg8[%add3A_112, %dma_start3A_113] : memref<40x128xi32, #tpu.memory_space<vmem>> -> memref<1x128xi32, #tpu.memory_space<vmem>>
      %dma_start3A_115 = tpu.memref_squeeze %dma_start3A_114 : memref<1x128xi32, #tpu.memory_space<vmem>> -> memref<128xi32, #tpu.memory_space<vmem>>
      %dma_start3A_116 = arith.constant 0 : i32
      %dma_start3A_117 = arith.constant 0 : i32
      %dma_start3A_118 = tpu.memref_slice %arg2[%dma_start3A_116, %dma_start3A_117] : memref<10240x128xf32, #tpu.memory_space<hbm>> -> memref<10240x128xf32, #tpu.memory_space<hbm>>
      tpu.enqueue_indirect_dma source(%dma_start3A_118 : memref<10240x128xf32, #tpu.memory_space<hbm>>) target(%arg9 : memref<128x128xf32, #tpu.memory_space<vmem>>) offsets(%dma_start3A_115 : memref<128xi32, #tpu.memory_space<vmem>>) semaphore(%arg11 : memref<!tpu.dma_semaphore, #tpu.memory_space<semaphore_mem>>)
      %add3A_119 = arith.constant 1 : i32
      %add3A_120 = arith.addi %mul3A_96, %add3A_119 : i32
      %dma_wait3A_121 = arith.constant 0 : i32
      %dma_wait3A_122 = tpu.memref_slice %arg8[%add3A_120, %dma_wait3A_121] : memref<40x128xi32, #tpu.memory_space<vmem>> -> memref<1x128xi32, #tpu.memory_space<vmem>>
      %dma_wait3A_123 = tpu.memref_squeeze %dma_wait3A_122 : memref<1x128xi32, #tpu.memory_space<vmem>> -> memref<128xi32, #tpu.memory_space<vmem>>
      %dma_wait3A_124 = arith.constant 0 : i32
      %dma_wait3A_125 = arith.constant 0 : i32
      %dma_wait3A_126 = tpu.memref_slice %arg2[%dma_wait3A_124, %dma_wait3A_125] : memref<10240x128xf32, #tpu.memory_space<hbm>> -> memref<10240x128xf32, #tpu.memory_space<hbm>>
      tpu.wait_indirect_dma semaphore(%arg12 : memref<!tpu.dma_semaphore, #tpu.memory_space<semaphore_mem>>) src(%dma_wait3A_126 : memref<10240x128xf32, #tpu.memory_space<hbm>>) dst(%arg10 : memref<128x128xf32, #tpu.memory_space<vmem>>)
      %add3A_127 = arith.constant 1 : i32
      %add3A_128 = arith.addi %mul3A_96, %add3A_127 : i32
      "tpu.region"() ({
        %run_scoped3A_129 = tpu.sem_alloc : memref<!tpu.dma_semaphore, #tpu.memory_space<semaphore_mem>>
        %dma_start3A_130 = arith.constant 0 : i32
        %dma_start3A_131 = tpu.memref_slice %arg7[%add3A_128, %dma_start3A_130] : memref<40x128xi32, #tpu.memory_space<vmem>> -> memref<1x128xi32, #tpu.memory_space<vmem>>
        %dma_start3A_132 = tpu.memref_squeeze %dma_start3A_131 : memref<1x128xi32, #tpu.memory_space<vmem>> -> memref<128xi32, #tpu.memory_space<vmem>>
        %dma_start3A_133 = arith.constant 0 : i32
        %dma_start3A_134 = arith.constant 0 : i32
        %dma_start3A_135 = tpu.memref_slice %arg13[%dma_start3A_133, %dma_start3A_134] : memref<10240x128xf32, #tpu.memory_space<vmem_shared>> -> memref<10240x128xf32, #tpu.memory_space<vmem_shared>>
        tpu.enqueue_indirect_dma source(%arg10 : memref<128x128xf32, #tpu.memory_space<vmem>>) target(%dma_start3A_135 : memref<10240x128xf32, #tpu.memory_space<vmem_shared>>) offsets(%dma_start3A_132 : memref<128xi32, #tpu.memory_space<vmem>>) semaphore(%run_scoped3A_129 : memref<!tpu.dma_semaphore, #tpu.memory_space<semaphore_mem>>) {add = true}
        %dma_wait3A_136 = arith.constant 0 : i32
        %dma_wait3A_137 = tpu.memref_slice %arg7[%add3A_128, %dma_wait3A_136] : memref<40x128xi32, #tpu.memory_space<vmem>> -> memref<1x128xi32, #tpu.memory_space<vmem>>
        %dma_wait3A_138 = tpu.memref_squeeze %dma_wait3A_137 : memref<1x128xi32, #tpu.memory_space<vmem>> -> memref<128xi32, #tpu.memory_space<vmem>>
        %dma_wait3A_139 = arith.constant 0 : i32
        %dma_wait3A_140 = arith.constant 0 : i32
        %dma_wait3A_141 = tpu.memref_slice %arg13[%dma_wait3A_139, %dma_wait3A_140] : memref<10240x128xf32, #tpu.memory_space<vmem_shared>> -> memref<10240x128xf32, #tpu.memory_space<vmem_shared>>
        tpu.wait_indirect_dma semaphore(%run_scoped3A_129 : memref<!tpu.dma_semaphore, #tpu.memory_space<semaphore_mem>>) src(%arg10 : memref<128x128xf32, #tpu.memory_space<vmem>>) dst(%dma_wait3A_141 : memref<10240x128xf32, #tpu.memory_space<vmem_shared>>)
        tpu.yield
      }) : () -> ()
    }
    %scan3A_65 = arith.constant 19 : i32
    %dma_start3A_66 = arith.constant 39 : i32
    %dma_start3A_67 = arith.constant 0 : i32
    %dma_start3A_68 = tpu.memref_slice %arg8[%dma_start3A_66, %dma_start3A_67] : memref<40x128xi32, #tpu.memory_space<vmem>> -> memref<1x128xi32, #tpu.memory_space<vmem>>
    %dma_start3A_69 = tpu.memref_squeeze %dma_start3A_68 : memref<1x128xi32, #tpu.memory_space<vmem>> -> memref<128xi32, #tpu.memory_space<vmem>>
    %dma_start3A_70 = arith.constant 0 : i32
    %dma_start3A_71 = arith.constant 0 : i32
    %dma_start3A_72 = tpu.memref_slice %arg2[%dma_start3A_70, %dma_start3A_71] : memref<10240x128xf32, #tpu.memory_space<hbm>> -> memref<10240x128xf32, #tpu.memory_space<hbm>>
    tpu.enqueue_indirect_dma source(%dma_start3A_72 : memref<10240x128xf32, #tpu.memory_space<hbm>>) target(%arg10 : memref<128x128xf32, #tpu.memory_space<vmem>>) offsets(%dma_start3A_69 : memref<128xi32, #tpu.memory_space<vmem>>) semaphore(%arg12 : memref<!tpu.dma_semaphore, #tpu.memory_space<semaphore_mem>>)
    %dma_wait3A_73 = arith.constant 38 : i32
    %dma_wait3A_74 = arith.constant 0 : i32
    %dma_wait3A_75 = tpu.memref_slice %arg8[%dma_wait3A_73, %dma_wait3A_74] : memref<40x128xi32, #tpu.memory_space<vmem>> -> memref<1x128xi32, #tpu.memory_space<vmem>>
    %dma_wait3A_76 = tpu.memref_squeeze %dma_wait3A_75 : memref<1x128xi32, #tpu.memory_space<vmem>> -> memref<128xi32, #tpu.memory_space<vmem>>
    %dma_wait3A_77 = arith.constant 0 : i32
    %dma_wait3A_78 = arith.constant 0 : i32
    %dma_wait3A_79 = tpu.memref_slice %arg2[%dma_wait3A_77, %dma_wait3A_78] : memref<10240x128xf32, #tpu.memory_space<hbm>> -> memref<10240x128xf32, #tpu.memory_space<hbm>>
    tpu.wait_indirect_dma semaphore(%arg11 : memref<!tpu.dma_semaphore, #tpu.memory_space<semaphore_mem>>) src(%dma_wait3A_79 : memref<10240x128xf32, #tpu.memory_space<hbm>>) dst(%arg9 : memref<128x128xf32, #tpu.memory_space<vmem>>)
    %run_scoped3A_80 = arith.constant 38 : i32
    "tpu.region"() ({
      %run_scoped3A_94 = tpu.sem_alloc : memref<!tpu.dma_semaphore, #tpu.memory_space<semaphore_mem>>
      %dma_start3A_95 = arith.constant 0 : i32
      %dma_start3A_96 = tpu.memref_slice %arg7[%run_scoped3A_80, %dma_start3A_95] : memref<40x128xi32, #tpu.memory_space<vmem>> -> memref<1x128xi32, #tpu.memory_space<vmem>>
      %dma_start3A_97 = tpu.memref_squeeze %dma_start3A_96 : memref<1x128xi32, #tpu.memory_space<vmem>> -> memref<128xi32, #tpu.memory_space<vmem>>
      %dma_start3A_98 = arith.constant 0 : i32
      %dma_start3A_99 = arith.constant 0 : i32
      %dma_start3A_100 = tpu.memref_slice %arg13[%dma_start3A_98, %dma_start3A_99] : memref<10240x128xf32, #tpu.memory_space<vmem_shared>> -> memref<10240x128xf32, #tpu.memory_space<vmem_shared>>
      tpu.enqueue_indirect_dma source(%arg9 : memref<128x128xf32, #tpu.memory_space<vmem>>) target(%dma_start3A_100 : memref<10240x128xf32, #tpu.memory_space<vmem_shared>>) offsets(%dma_start3A_97 : memref<128xi32, #tpu.memory_space<vmem>>) semaphore(%run_scoped3A_94 : memref<!tpu.dma_semaphore, #tpu.memory_space<semaphore_mem>>) {add = true}
      %dma_wait3A_101 = arith.constant 0 : i32
      %dma_wait3A_102 = tpu.memref_slice %arg7[%run_scoped3A_80, %dma_wait3A_101] : memref<40x128xi32, #tpu.memory_space<vmem>> -> memref<1x128xi32, #tpu.memory_space<vmem>>
      %dma_wait3A_103 = tpu.memref_squeeze %dma_wait3A_102 : memref<1x128xi32, #tpu.memory_space<vmem>> -> memref<128xi32, #tpu.memory_space<vmem>>
      %dma_wait3A_104 = arith.constant 0 : i32
      %dma_wait3A_105 = arith.constant 0 : i32
      %dma_wait3A_106 = tpu.memref_slice %arg13[%dma_wait3A_104, %dma_wait3A_105] : memref<10240x128xf32, #tpu.memory_space<vmem_shared>> -> memref<10240x128xf32, #tpu.memory_space<vmem_shared>>
      tpu.wait_indirect_dma semaphore(%run_scoped3A_94 : memref<!tpu.dma_semaphore, #tpu.memory_space<semaphore_mem>>) src(%arg9 : memref<128x128xf32, #tpu.memory_space<vmem>>) dst(%dma_wait3A_106 : memref<10240x128xf32, #tpu.memory_space<vmem_shared>>)
      tpu.yield
    }) : () -> ()
    %dma_wait3A_81 = arith.constant 39 : i32
    %dma_wait3A_82 = arith.constant 0 : i32
    %dma_wait3A_83 = tpu.memref_slice %arg8[%dma_wait3A_81, %dma_wait3A_82] : memref<40x128xi32, #tpu.memory_space<vmem>> -> memref<1x128xi32, #tpu.memory_space<vmem>>
    %dma_wait3A_84 = tpu.memref_squeeze %dma_wait3A_83 : memref<1x128xi32, #tpu.memory_space<vmem>> -> memref<128xi32, #tpu.memory_space<vmem>>
    %dma_wait3A_85 = arith.constant 0 : i32
    %dma_wait3A_86 = arith.constant 0 : i32
    %dma_wait3A_87 = tpu.memref_slice %arg2[%dma_wait3A_85, %dma_wait3A_86] : memref<10240x128xf32, #tpu.memory_space<hbm>> -> memref<10240x128xf32, #tpu.memory_space<hbm>>
    tpu.wait_indirect_dma semaphore(%arg12 : memref<!tpu.dma_semaphore, #tpu.memory_space<semaphore_mem>>) src(%dma_wait3A_87 : memref<10240x128xf32, #tpu.memory_space<hbm>>) dst(%arg10 : memref<128x128xf32, #tpu.memory_space<vmem>>)
    %run_scoped3A_88 = arith.constant 39 : i32
    "tpu.region"() ({
      %run_scoped3A_94 = tpu.sem_alloc : memref<!tpu.dma_semaphore, #tpu.memory_space<semaphore_mem>>
      %dma_start3A_95 = arith.constant 0 : i32
      %dma_start3A_96 = tpu.memref_slice %arg7[%run_scoped3A_88, %dma_start3A_95] : memref<40x128xi32, #tpu.memory_space<vmem>> -> memref<1x128xi32, #tpu.memory_space<vmem>>
      %dma_start3A_97 = tpu.memref_squeeze %dma_start3A_96 : memref<1x128xi32, #tpu.memory_space<vmem>> -> memref<128xi32, #tpu.memory_space<vmem>>
      %dma_start3A_98 = arith.constant 0 : i32
      %dma_start3A_99 = arith.constant 0 : i32
      %dma_start3A_100 = tpu.memref_slice %arg13[%dma_start3A_98, %dma_start3A_99] : memref<10240x128xf32, #tpu.memory_space<vmem_shared>> -> memref<10240x128xf32, #tpu.memory_space<vmem_shared>>
      tpu.enqueue_indirect_dma source(%arg10 : memref<128x128xf32, #tpu.memory_space<vmem>>) target(%dma_start3A_100 : memref<10240x128xf32, #tpu.memory_space<vmem_shared>>) offsets(%dma_start3A_97 : memref<128xi32, #tpu.memory_space<vmem>>) semaphore(%run_scoped3A_94 : memref<!tpu.dma_semaphore, #tpu.memory_space<semaphore_mem>>) {add = true}
      %dma_wait3A_101 = arith.constant 0 : i32
      %dma_wait3A_102 = tpu.memref_slice %arg7[%run_scoped3A_88, %dma_wait3A_101] : memref<40x128xi32, #tpu.memory_space<vmem>> -> memref<1x128xi32, #tpu.memory_space<vmem>>
      %dma_wait3A_103 = tpu.memref_squeeze %dma_wait3A_102 : memref<1x128xi32, #tpu.memory_space<vmem>> -> memref<128xi32, #tpu.memory_space<vmem>>
      %dma_wait3A_104 = arith.constant 0 : i32
      %dma_wait3A_105 = arith.constant 0 : i32
      %dma_wait3A_106 = tpu.memref_slice %arg13[%dma_wait3A_104, %dma_wait3A_105] : memref<10240x128xf32, #tpu.memory_space<vmem_shared>> -> memref<10240x128xf32, #tpu.memory_space<vmem_shared>>
      tpu.wait_indirect_dma semaphore(%run_scoped3A_94 : memref<!tpu.dma_semaphore, #tpu.memory_space<semaphore_mem>>) src(%arg10 : memref<128x128xf32, #tpu.memory_space<vmem>>) dst(%dma_wait3A_106 : memref<10240x128xf32, #tpu.memory_space<vmem_shared>>)
      tpu.yield
    }) : () -> ()
    %barrier3A_89 = arith.constant 0 : index
    tpu.barrier barrier_id(%barrier3A_89)
    %mul3A_90 = arith.constant 640 : i32
    %mul3A_91 = arith.muli %arg1, %mul3A_90 : i32
    %mul3A_92 = arith.constant 640 : i32
    %mul3A_93 = arith.muli %arg1, %mul3A_92 : i32
    "tpu.region"() ({
      %run_scoped3A_94 = tpu.sem_alloc : memref<!tpu.dma_semaphore, #tpu.memory_space<semaphore_mem>>
      %dma_start3A_95 = arith.constant 0 : i32
      %dma_start3A_96 = tpu.memref_slice %arg6[%arg0, %mul3A_93, %dma_start3A_95] : memref<2x10240x128xf32, #tpu.memory_space<hbm>> -> memref<1x640x128xf32, #tpu.memory_space<hbm>>
      %dma_start3A_97 = tpu.memref_squeeze %dma_start3A_96 : memref<1x640x128xf32, #tpu.memory_space<hbm>> -> memref<640x128xf32, #tpu.memory_space<hbm>>
      %dma_start3A_98 = arith.constant 0 : i32
      %dma_start3A_99 = tpu.memref_slice %arg13[%mul3A_91, %dma_start3A_98] : memref<10240x128xf32, #tpu.memory_space<vmem_shared>> -> memref<640x128xf32, #tpu.memory_space<vmem_shared>>
      tpu.enqueue_dma source(%dma_start3A_99 : memref<640x128xf32, #tpu.memory_space<vmem_shared>>) target(%dma_start3A_97 : memref<640x128xf32, #tpu.memory_space<hbm>>) target_semaphore(%run_scoped3A_94 : memref<!tpu.dma_semaphore, #tpu.memory_space<semaphore_mem>>)
      %dma_wait3A_100 = arith.constant 0 : i32
      %dma_wait3A_101 = tpu.memref_slice %arg6[%arg0, %mul3A_93, %dma_wait3A_100] : memref<2x10240x128xf32, #tpu.memory_space<hbm>> -> memref<1x640x128xf32, #tpu.memory_space<hbm>>
      %dma_wait3A_102 = tpu.memref_squeeze %dma_wait3A_101 : memref<1x640x128xf32, #tpu.memory_space<hbm>> -> memref<640x128xf32, #tpu.memory_space<hbm>>
      %dma_wait3A_103 = arith.constant 0 : i32
      %dma_wait3A_104 = tpu.memref_slice %arg13[%mul3A_91, %dma_wait3A_103] : memref<10240x128xf32, #tpu.memory_space<vmem_shared>> -> memref<640x128xf32, #tpu.memory_space<vmem_shared>>
      tpu.wait_dma2 semaphore(%run_scoped3A_94 : memref<!tpu.dma_semaphore, #tpu.memory_space<semaphore_mem>>) src(%dma_wait3A_104 : memref<640x128xf32, #tpu.memory_space<vmem_shared>>) dst(%dma_wait3A_102 : memref<640x128xf32, #tpu.memory_space<hbm>>)
      tpu.yield
    }) : () -> ()
    return
  }
}

#map = affine_map<(d0, d1) -> (0, 0, 0)>
#map1 = affine_map<(d0, d1) -> (0, 0)>
module attributes {stable_mosaic.version = 14 : i64} {
  func.func @_deg_kernel(%arg0: i32, %arg1: i32, %arg2: memref<32x80x128xi32, #tpu.memory_space<hbm>>, %arg3: memref<128x128xf32, #tpu.memory_space<hbm>>, %arg4: memref<128x128xf32, #tpu.memory_space<hbm>>, %arg5: memref<2x10240x128xf32, #tpu.memory_space<hbm>>, %arg6: memref<80x128xi32, #tpu.memory_space<vmem>>, %arg7: memref<128x128xf32, #tpu.memory_space<vmem>>, %arg8: memref<!tpu.dma_semaphore, #tpu.memory_space<semaphore_mem>>, %arg9: memref<10240x128xf32, #tpu.memory_space<vmem_shared>>) attributes {dimension_semantics = [#tpu.dimension_semantics<core_parallel>, #tpu.dimension_semantics<subcore_parallel>], iteration_bounds = array<i64: 2, 16>, scalar_prefetch = 0 : i64, scratch_operands = 4 : i64, tpu.core_type = #tpu.core_type<sc_vector_subcore>, window_params = [{transform_indices = #map}, {transform_indices = #map1}, {transform_indices = #map1}, {transform_indices = #map}]} {
    %mul3A = arith.constant 16 : i32
    %mul3A_0 = arith.muli %arg0, %mul3A : i32
    %add3A = arith.addi %mul3A_0, %arg1 : i32
    %mul3A_1 = arith.constant 640 : i32
    %mul3A_2 = arith.muli %arg1, %mul3A_1 : i32
    %add3A_3 = arith.constant 0 : i32
    %add3A_4 = arith.addi %mul3A_2, %add3A_3 : i32
    "tpu.region"() ({
      %run_scoped3A = tpu.sem_alloc : memref<!tpu.dma_semaphore, #tpu.memory_space<semaphore_mem>>
      %dma_start3A = arith.constant 0 : i32
      %dma_start3A_37 = tpu.memref_slice %arg9[%add3A_4, %dma_start3A] : memref<10240x128xf32, #tpu.memory_space<vmem_shared>> -> memref<128x128xf32, #tpu.memory_space<vmem_shared>>
      tpu.enqueue_dma source(%arg4 : memref<128x128xf32, #tpu.memory_space<hbm>>) target(%dma_start3A_37 : memref<128x128xf32, #tpu.memory_space<vmem_shared>>) target_semaphore(%run_scoped3A : memref<!tpu.dma_semaphore, #tpu.memory_space<semaphore_mem>>)
      %dma_wait3A = arith.constant 0 : i32
      %dma_wait3A_38 = tpu.memref_slice %arg9[%add3A_4, %dma_wait3A] : memref<10240x128xf32, #tpu.memory_space<vmem_shared>> -> memref<128x128xf32, #tpu.memory_space<vmem_shared>>
      tpu.wait_dma2 semaphore(%run_scoped3A : memref<!tpu.dma_semaphore, #tpu.memory_space<semaphore_mem>>) src(%arg4 : memref<128x128xf32, #tpu.memory_space<hbm>>) dst(%dma_wait3A_38 : memref<128x128xf32, #tpu.memory_space<vmem_shared>>)
      tpu.yield
    }) : () -> ()
    %mul3A_5 = arith.constant 640 : i32
    %mul3A_6 = arith.muli %arg1, %mul3A_5 : i32
    %add3A_7 = arith.constant 128 : i32
    %add3A_8 = arith.addi %mul3A_6, %add3A_7 : i32
    "tpu.region"() ({
      %run_scoped3A = tpu.sem_alloc : memref<!tpu.dma_semaphore, #tpu.memory_space<semaphore_mem>>
      %dma_start3A = arith.constant 0 : i32
      %dma_start3A_37 = tpu.memref_slice %arg9[%add3A_8, %dma_start3A] : memref<10240x128xf32, #tpu.memory_space<vmem_shared>> -> memref<128x128xf32, #tpu.memory_space<vmem_shared>>
      tpu.enqueue_dma source(%arg4 : memref<128x128xf32, #tpu.memory_space<hbm>>) target(%dma_start3A_37 : memref<128x128xf32, #tpu.memory_space<vmem_shared>>) target_semaphore(%run_scoped3A : memref<!tpu.dma_semaphore, #tpu.memory_space<semaphore_mem>>)
      %dma_wait3A = arith.constant 0 : i32
      %dma_wait3A_38 = tpu.memref_slice %arg9[%add3A_8, %dma_wait3A] : memref<10240x128xf32, #tpu.memory_space<vmem_shared>> -> memref<128x128xf32, #tpu.memory_space<vmem_shared>>
      tpu.wait_dma2 semaphore(%run_scoped3A : memref<!tpu.dma_semaphore, #tpu.memory_space<semaphore_mem>>) src(%arg4 : memref<128x128xf32, #tpu.memory_space<hbm>>) dst(%dma_wait3A_38 : memref<128x128xf32, #tpu.memory_space<vmem_shared>>)
      tpu.yield
    }) : () -> ()
    %mul3A_9 = arith.constant 640 : i32
    %mul3A_10 = arith.muli %arg1, %mul3A_9 : i32
    %add3A_11 = arith.constant 256 : i32
    %add3A_12 = arith.addi %mul3A_10, %add3A_11 : i32
    "tpu.region"() ({
      %run_scoped3A = tpu.sem_alloc : memref<!tpu.dma_semaphore, #tpu.memory_space<semaphore_mem>>
      %dma_start3A = arith.constant 0 : i32
      %dma_start3A_37 = tpu.memref_slice %arg9[%add3A_12, %dma_start3A] : memref<10240x128xf32, #tpu.memory_space<vmem_shared>> -> memref<128x128xf32, #tpu.memory_space<vmem_shared>>
      tpu.enqueue_dma source(%arg4 : memref<128x128xf32, #tpu.memory_space<hbm>>) target(%dma_start3A_37 : memref<128x128xf32, #tpu.memory_space<vmem_shared>>) target_semaphore(%run_scoped3A : memref<!tpu.dma_semaphore, #tpu.memory_space<semaphore_mem>>)
      %dma_wait3A = arith.constant 0 : i32
      %dma_wait3A_38 = tpu.memref_slice %arg9[%add3A_12, %dma_wait3A] : memref<10240x128xf32, #tpu.memory_space<vmem_shared>> -> memref<128x128xf32, #tpu.memory_space<vmem_shared>>
      tpu.wait_dma2 semaphore(%run_scoped3A : memref<!tpu.dma_semaphore, #tpu.memory_space<semaphore_mem>>) src(%arg4 : memref<128x128xf32, #tpu.memory_space<hbm>>) dst(%dma_wait3A_38 : memref<128x128xf32, #tpu.memory_space<vmem_shared>>)
      tpu.yield
    }) : () -> ()
    %mul3A_13 = arith.constant 640 : i32
    %mul3A_14 = arith.muli %arg1, %mul3A_13 : i32
    %add3A_15 = arith.constant 384 : i32
    %add3A_16 = arith.addi %mul3A_14, %add3A_15 : i32
    "tpu.region"() ({
      %run_scoped3A = tpu.sem_alloc : memref<!tpu.dma_semaphore, #tpu.memory_space<semaphore_mem>>
      %dma_start3A = arith.constant 0 : i32
      %dma_start3A_37 = tpu.memref_slice %arg9[%add3A_16, %dma_start3A] : memref<10240x128xf32, #tpu.memory_space<vmem_shared>> -> memref<128x128xf32, #tpu.memory_space<vmem_shared>>
      tpu.enqueue_dma source(%arg4 : memref<128x128xf32, #tpu.memory_space<hbm>>) target(%dma_start3A_37 : memref<128x128xf32, #tpu.memory_space<vmem_shared>>) target_semaphore(%run_scoped3A : memref<!tpu.dma_semaphore, #tpu.memory_space<semaphore_mem>>)
      %dma_wait3A = arith.constant 0 : i32
      %dma_wait3A_38 = tpu.memref_slice %arg9[%add3A_16, %dma_wait3A] : memref<10240x128xf32, #tpu.memory_space<vmem_shared>> -> memref<128x128xf32, #tpu.memory_space<vmem_shared>>
      tpu.wait_dma2 semaphore(%run_scoped3A : memref<!tpu.dma_semaphore, #tpu.memory_space<semaphore_mem>>) src(%arg4 : memref<128x128xf32, #tpu.memory_space<hbm>>) dst(%dma_wait3A_38 : memref<128x128xf32, #tpu.memory_space<vmem_shared>>)
      tpu.yield
    }) : () -> ()
    %mul3A_17 = arith.constant 640 : i32
    %mul3A_18 = arith.muli %arg1, %mul3A_17 : i32
    %add3A_19 = arith.constant 512 : i32
    %add3A_20 = arith.addi %mul3A_18, %add3A_19 : i32
    "tpu.region"() ({
      %run_scoped3A = tpu.sem_alloc : memref<!tpu.dma_semaphore, #tpu.memory_space<semaphore_mem>>
      %dma_start3A = arith.constant 0 : i32
      %dma_start3A_37 = tpu.memref_slice %arg9[%add3A_20, %dma_start3A] : memref<10240x128xf32, #tpu.memory_space<vmem_shared>> -> memref<128x128xf32, #tpu.memory_space<vmem_shared>>
      tpu.enqueue_dma source(%arg4 : memref<128x128xf32, #tpu.memory_space<hbm>>) target(%dma_start3A_37 : memref<128x128xf32, #tpu.memory_space<vmem_shared>>) target_semaphore(%run_scoped3A : memref<!tpu.dma_semaphore, #tpu.memory_space<semaphore_mem>>)
      %dma_wait3A = arith.constant 0 : i32
      %dma_wait3A_38 = tpu.memref_slice %arg9[%add3A_20, %dma_wait3A] : memref<10240x128xf32, #tpu.memory_space<vmem_shared>> -> memref<128x128xf32, #tpu.memory_space<vmem_shared>>
      tpu.wait_dma2 semaphore(%run_scoped3A : memref<!tpu.dma_semaphore, #tpu.memory_space<semaphore_mem>>) src(%arg4 : memref<128x128xf32, #tpu.memory_space<hbm>>) dst(%dma_wait3A_38 : memref<128x128xf32, #tpu.memory_space<vmem_shared>>)
      tpu.yield
    }) : () -> ()
    "tpu.region"() ({
      %run_scoped3A = tpu.sem_alloc : memref<!tpu.dma_semaphore, #tpu.memory_space<semaphore_mem>>
      tpu.enqueue_dma source(%arg3 : memref<128x128xf32, #tpu.memory_space<hbm>>) target(%arg7 : memref<128x128xf32, #tpu.memory_space<vmem>>) target_semaphore(%run_scoped3A : memref<!tpu.dma_semaphore, #tpu.memory_space<semaphore_mem>>)
      tpu.wait_dma2 semaphore(%run_scoped3A : memref<!tpu.dma_semaphore, #tpu.memory_space<semaphore_mem>>) src(%arg3 : memref<128x128xf32, #tpu.memory_space<hbm>>) dst(%arg7 : memref<128x128xf32, #tpu.memory_space<vmem>>)
      tpu.yield
    }) : () -> ()
    "tpu.region"() ({
      %run_scoped3A = tpu.sem_alloc : memref<!tpu.dma_semaphore, #tpu.memory_space<semaphore_mem>>
      %dma_start3A = arith.constant 0 : i32
      %dma_start3A_37 = arith.constant 0 : i32
      %dma_start3A_38 = tpu.memref_slice %arg2[%add3A, %dma_start3A, %dma_start3A_37] : memref<32x80x128xi32, #tpu.memory_space<hbm>> -> memref<1x80x128xi32, #tpu.memory_space<hbm>>
      %dma_start3A_39 = tpu.memref_squeeze %dma_start3A_38 : memref<1x80x128xi32, #tpu.memory_space<hbm>> -> memref<80x128xi32, #tpu.memory_space<hbm>>
      %dma_start3A_40 = arith.constant 0 : i32
      %dma_start3A_41 = arith.constant 0 : i32
      %dma_start3A_42 = tpu.memref_slice %arg2[%add3A, %dma_start3A_40, %dma_start3A_41] : memref<32x80x128xi32, #tpu.memory_space<hbm>> -> memref<1x80x128xi32, #tpu.memory_space<hbm>>
      %dma_start3A_43 = tpu.memref_squeeze %dma_start3A_42 : memref<1x80x128xi32, #tpu.memory_space<hbm>> -> memref<80x128xi32, #tpu.memory_space<hbm>>
      tpu.enqueue_dma source(%dma_start3A_43 : memref<80x128xi32, #tpu.memory_space<hbm>>) target(%arg6 : memref<80x128xi32, #tpu.memory_space<vmem>>) target_semaphore(%run_scoped3A : memref<!tpu.dma_semaphore, #tpu.memory_space<semaphore_mem>>)
      %dma_wait3A = arith.constant 0 : i32
      %dma_wait3A_44 = arith.constant 0 : i32
      %dma_wait3A_45 = tpu.memref_slice %arg2[%add3A, %dma_wait3A, %dma_wait3A_44] : memref<32x80x128xi32, #tpu.memory_space<hbm>> -> memref<1x80x128xi32, #tpu.memory_space<hbm>>
      %dma_wait3A_46 = tpu.memref_squeeze %dma_wait3A_45 : memref<1x80x128xi32, #tpu.memory_space<hbm>> -> memref<80x128xi32, #tpu.memory_space<hbm>>
      %dma_wait3A_47 = arith.constant 0 : i32
      %dma_wait3A_48 = arith.constant 0 : i32
      %dma_wait3A_49 = tpu.memref_slice %arg2[%add3A, %dma_wait3A_47, %dma_wait3A_48] : memref<32x80x128xi32, #tpu.memory_space<hbm>> -> memref<1x80x128xi32, #tpu.memory_space<hbm>>
      %dma_wait3A_50 = tpu.memref_squeeze %dma_wait3A_49 : memref<1x80x128xi32, #tpu.memory_space<hbm>> -> memref<80x128xi32, #tpu.memory_space<hbm>>
      tpu.wait_dma2 semaphore(%run_scoped3A : memref<!tpu.dma_semaphore, #tpu.memory_space<semaphore_mem>>) src(%dma_wait3A_50 : memref<80x128xi32, #tpu.memory_space<hbm>>) dst(%arg6 : memref<80x128xi32, #tpu.memory_space<vmem>>)
      tpu.yield
    }) : () -> ()
    %barrier3A = arith.constant 0 : index
    tpu.barrier barrier_id(%barrier3A)
    %scan3A = arith.constant 0 : i32
    %scan3A_21 = arith.constant 0 : i32
    %scan3A_22 = arith.constant 80 : i32
    %scan3A_23 = arith.addi %scan3A_21, %scan3A_22 : i32
    %scan3A_24 = arith.constant 1 : i32
    scf.for %scan3A_37 = %scan3A_21 to %scan3A_23 step %scan3A_24  : i32 {
      %dma_start3A = arith.constant 0 : i32
      %dma_start3A_38 = tpu.memref_slice %arg6[%scan3A_37, %dma_start3A] : memref<80x128xi32, #tpu.memory_space<vmem>> -> memref<1x128xi32, #tpu.memory_space<vmem>>
      %dma_start3A_39 = tpu.memref_squeeze %dma_start3A_38 : memref<1x128xi32, #tpu.memory_space<vmem>> -> memref<128xi32, #tpu.memory_space<vmem>>
      %dma_start3A_40 = arith.constant 0 : i32
      %dma_start3A_41 = arith.constant 0 : i32
      %dma_start3A_42 = tpu.memref_slice %arg9[%dma_start3A_40, %dma_start3A_41] : memref<10240x128xf32, #tpu.memory_space<vmem_shared>> -> memref<10240x128xf32, #tpu.memory_space<vmem_shared>>
      tpu.enqueue_indirect_dma source(%arg7 : memref<128x128xf32, #tpu.memory_space<vmem>>) target(%dma_start3A_42 : memref<10240x128xf32, #tpu.memory_space<vmem_shared>>) offsets(%dma_start3A_39 : memref<128xi32, #tpu.memory_space<vmem>>) semaphore(%arg8 : memref<!tpu.dma_semaphore, #tpu.memory_space<semaphore_mem>>) {add = true}
    }
    %scan3A_25 = arith.constant 80 : i32
    %scan3A_26 = arith.constant 0 : i32
    %scan3A_27 = arith.constant 0 : i32
    %scan3A_28 = arith.constant 80 : i32
    %scan3A_29 = arith.addi %scan3A_27, %scan3A_28 : i32
    %scan3A_30 = arith.constant 1 : i32
    scf.for %scan3A_37 = %scan3A_27 to %scan3A_29 step %scan3A_30  : i32 {
      %dma_wait3A = arith.constant 0 : i32
      %dma_wait3A_38 = tpu.memref_slice %arg6[%scan3A_37, %dma_wait3A] : memref<80x128xi32, #tpu.memory_space<vmem>> -> memref<1x128xi32, #tpu.memory_space<vmem>>
      %dma_wait3A_39 = tpu.memref_squeeze %dma_wait3A_38 : memref<1x128xi32, #tpu.memory_space<vmem>> -> memref<128xi32, #tpu.memory_space<vmem>>
      %dma_wait3A_40 = arith.constant 0 : i32
      %dma_wait3A_41 = arith.constant 0 : i32
      %dma_wait3A_42 = tpu.memref_slice %arg9[%dma_wait3A_40, %dma_wait3A_41] : memref<10240x128xf32, #tpu.memory_space<vmem_shared>> -> memref<10240x128xf32, #tpu.memory_space<vmem_shared>>
      tpu.wait_indirect_dma semaphore(%arg8 : memref<!tpu.dma_semaphore, #tpu.memory_space<semaphore_mem>>) src(%arg7 : memref<128x128xf32, #tpu.memory_space<vmem>>) dst(%dma_wait3A_42 : memref<10240x128xf32, #tpu.memory_space<vmem_shared>>)
    }
    %scan3A_31 = arith.constant 80 : i32
    %barrier3A_32 = arith.constant 0 : index
    tpu.barrier barrier_id(%barrier3A_32)
    %mul3A_33 = arith.constant 640 : i32
    %mul3A_34 = arith.muli %arg1, %mul3A_33 : i32
    %mul3A_35 = arith.constant 640 : i32
    %mul3A_36 = arith.muli %arg1, %mul3A_35 : i32
    "tpu.region"() ({
      %run_scoped3A = tpu.sem_alloc : memref<!tpu.dma_semaphore, #tpu.memory_space<semaphore_mem>>
      %dma_start3A = arith.constant 0 : i32
      %dma_start3A_37 = tpu.memref_slice %arg5[%arg0, %mul3A_36, %dma_start3A] : memref<2x10240x128xf32, #tpu.memory_space<hbm>> -> memref<1x640x128xf32, #tpu.memory_space<hbm>>
      %dma_start3A_38 = tpu.memref_squeeze %dma_start3A_37 : memref<1x640x128xf32, #tpu.memory_space<hbm>> -> memref<640x128xf32, #tpu.memory_space<hbm>>
      %dma_start3A_39 = arith.constant 0 : i32
      %dma_start3A_40 = tpu.memref_slice %arg9[%mul3A_34, %dma_start3A_39] : memref<10240x128xf32, #tpu.memory_space<vmem_shared>> -> memref<640x128xf32, #tpu.memory_space<vmem_shared>>
      tpu.enqueue_dma source(%dma_start3A_40 : memref<640x128xf32, #tpu.memory_space<vmem_shared>>) target(%dma_start3A_38 : memref<640x128xf32, #tpu.memory_space<hbm>>) target_semaphore(%run_scoped3A : memref<!tpu.dma_semaphore, #tpu.memory_space<semaphore_mem>>)
      %dma_wait3A = arith.constant 0 : i32
      %dma_wait3A_41 = tpu.memref_slice %arg5[%arg0, %mul3A_36, %dma_wait3A] : memref<2x10240x128xf32, #tpu.memory_space<hbm>> -> memref<1x640x128xf32, #tpu.memory_space<hbm>>
      %dma_wait3A_42 = tpu.memref_squeeze %dma_wait3A_41 : memref<1x640x128xf32, #tpu.memory_space<hbm>> -> memref<640x128xf32, #tpu.memory_space<hbm>>
      %dma_wait3A_43 = arith.constant 0 : i32
      %dma_wait3A_44 = tpu.memref_slice %arg9[%mul3A_34, %dma_wait3A_43] : memref<10240x128xf32, #tpu.memory_space<vmem_shared>> -> memref<640x128xf32, #tpu.memory_space<vmem_shared>>
      tpu.wait_dma2 semaphore(%run_scoped3A : memref<!tpu.dma_semaphore, #tpu.memory_space<semaphore_mem>>) src(%dma_wait3A_44 : memref<640x128xf32, #tpu.memory_space<vmem_shared>>) dst(%dma_wait3A_42 : memref<640x128xf32, #tpu.memory_space<hbm>>)
      tpu.yield
    }) : () -> ()
    return
  }
}

module attributes {stable_mosaic.version = 14 : i64} {
  func.func @_prep_body(%arg0: memref<10000x128xf32, #tpu.memory_space<vmem>>, %arg1: memref<2x10240x128xf32, #tpu.memory_space<vmem>>, %arg2: memref<1x1xf32, #tpu.memory_space<vmem>>, %arg3: memref<10240x128xf32, #tpu.memory_space<vmem>>, %arg4: memref<10000x1xf32, #tpu.memory_space<vmem>>, %arg5: memref<1x1xf32, #tpu.memory_space<vmem>>) attributes {dimension_semantics = [], scalar_prefetch = 0 : i64, scratch_operands = 0 : i64, tpu.core_type = #tpu.core_type<tc>} {
    %get3A = arith.constant 0 : index
    %get3A_0 = arith.constant 0 : index
    %get3A_1 = vector.load %arg0[%get3A, %get3A_0] : memref<10000x128xf32, #tpu.memory_space<vmem>>, vector<10000x128xf32>
    %reduce_min3A = vector.shape_cast %get3A_1 : vector<10000x128xf32> to vector<1x10000x128xf32>
    %reduce_min3A_2 = arith.constant dense<0x7F800000> : vector<1xf32>
    %reduce_min3A_3 = vector.multi_reduction <minimumf>, %reduce_min3A, %reduce_min3A_2 [1, 2] : vector<1x10000x128xf32> to vector<1xf32>
    %reduce_min3A_4 = vector.shape_cast %reduce_min3A_3 : vector<1xf32> to vector<1x1x1xf32>
    %reduce_min3A_5 = vector.extract %reduce_min3A_4[0, 0, 0] : f32 from vector<1x1x1xf32>
    %get3A_6 = arith.constant 0 : index
    %get3A_7 = arith.constant 0 : index
    %get3A_8 = vector.load %arg2[%get3A_6, %get3A_7] : memref<1x1xf32, #tpu.memory_space<vmem>>, vector<1x1xf32>
    %squeeze3A = vector.extract %get3A_8[0, 0] : f32 from vector<1x1xf32>
    %logistic3A = arith.negf %squeeze3A : f32
    %logistic3A_9 = math.exp %logistic3A : f32
    %logistic3A_10 = arith.constant 1.000000e+00 : f32
    %logistic3A_11 = arith.addf %logistic3A_10, %logistic3A_9 : f32
    %logistic3A_12 = arith.divf %logistic3A_10, %logistic3A_11 : f32
    %add3A = arith.constant 1.000000e+00 : f32
    %add3A_13 = arith.addf %logistic3A_12, %add3A : f32
    %get3A_14 = arith.constant 0 : index
    %get3A_15 = arith.constant 0 : index
    %get3A_16 = arith.constant 0 : index
    %get3A_17 = vector.load %arg1[%get3A_14, %get3A_15, %get3A_16] : memref<2x10240x128xf32, #tpu.memory_space<vmem>>, vector<1x10000x1xf32>
    %get3A_18 = vector.shape_cast %get3A_17 : vector<1x10000x1xf32> to vector<10000x1xf32>
    %get3A_19 = arith.constant 1 : index
    %get3A_20 = arith.constant 0 : index
    %get3A_21 = arith.constant 0 : index
    %get3A_22 = vector.load %arg1[%get3A_19, %get3A_20, %get3A_21] : memref<2x10240x128xf32, #tpu.memory_space<vmem>>, vector<1x10000x1xf32>
    %get3A_23 = vector.shape_cast %get3A_22 : vector<1x10000x1xf32> to vector<10000x1xf32>
    %add3A_24 = arith.addf %get3A_18, %get3A_23 : vector<10000x1xf32>
    %gt3A = arith.constant 0.000000e+00 : f32
    %gt3A_25 = vector.broadcast %gt3A : f32 to vector<10000x1xf32>
    %gt3A_26 = arith.cmpf ogt, %add3A_24, %gt3A_25 : vector<10000x1xf32>
    %rsqrt3A = math.rsqrt %add3A_24 : vector<10000x1xf32>
    %jit3A = arith.constant 0.000000e+00 : f32
    %broadcast_in_dim3A = vector.broadcast %jit3A : f32 to vector<10000x1xf32>
    %select_n3A = arith.select %gt3A_26, %rsqrt3A, %broadcast_in_dim3A : vector<10000x1xi1>, vector<10000x1xf32>
    %sub3A = vector.broadcast %reduce_min3A_5 : f32 to vector<10000x128xf32>
    %sub3A_27 = arith.subf %get3A_1, %sub3A : vector<10000x128xf32>
    %add3A_28 = arith.constant 9.99999997E-7 : f32
    %add3A_29 = vector.broadcast %add3A_28 : f32 to vector<10000x128xf32>
    %add3A_30 = arith.addf %sub3A_27, %add3A_29 : vector<10000x128xf32>
    %pow3A = vector.broadcast %add3A_13 : f32 to vector<10000x128xf32>
    %pow3A_31 = math.powf %add3A_30, %pow3A : vector<10000x128xf32>
    %mul3A = vector.broadcast %select_n3A : vector<10000x1xf32> to vector<10000x128xf32>
    %mul3A_32 = arith.mulf %mul3A, %pow3A_31 : vector<10000x128xf32>
    %swap3A = arith.constant 0 : index
    %swap3A_33 = arith.constant 0 : index
    %swap3A_34 = vector.load %arg3[%swap3A, %swap3A_33] : memref<10240x128xf32, #tpu.memory_space<vmem>>, vector<10000x128xf32>
    tpu.vector_store %arg3[%swap3A, %swap3A_33], %mul3A_32 {strides = array<i32>} : memref<10240x128xf32, #tpu.memory_space<vmem>>, vector<10000x128xf32>,
    %broadcast_in_dim3A_35 = arith.constant 0.000000e+00 : f32
    %broadcast_in_dim3A_36 = vector.broadcast %broadcast_in_dim3A_35 : f32 to vector<240x128xf32>
    %swap3A_37 = arith.constant 10000 : index
    %swap3A_38 = arith.constant 0 : index
    %swap3A_39 = vector.load %arg3[%swap3A_37, %swap3A_38] : memref<10240x128xf32, #tpu.memory_space<vmem>>, vector<240x128xf32>
    tpu.vector_store %arg3[%swap3A_37, %swap3A_38], %broadcast_in_dim3A_36 {strides = array<i32>} : memref<10240x128xf32, #tpu.memory_space<vmem>>, vector<240x128xf32>,
    %swap3A_40 = arith.constant 0 : index
    %swap3A_41 = arith.constant 0 : index
    %swap3A_42 = vector.load %arg4[%swap3A_40, %swap3A_41] : memref<10000x1xf32, #tpu.memory_space<vmem>>, vector<10000x1xf32>
    tpu.vector_store %arg4[%swap3A_40, %swap3A_41], %select_n3A {strides = array<i32>} : memref<10000x1xf32, #tpu.memory_space<vmem>>, vector<10000x1xf32>,
    %reshape3A = vector.broadcast %reduce_min3A_5 : f32 to vector<1x1xf32>
    %swap3A_43 = arith.constant 0 : index
    %swap3A_44 = arith.constant 0 : index
    %swap3A_45 = vector.load %arg5[%swap3A_43, %swap3A_44] : memref<1x1xf32, #tpu.memory_space<vmem>>, vector<1x1xf32>
    tpu.vector_store %arg5[%swap3A_43, %swap3A_44], %reshape3A {strides = array<i32>} : memref<1x1xf32, #tpu.memory_space<vmem>>, vector<1x1xf32>,
    return
  }
}

module attributes {stable_mosaic.version = 14 : i64} {
  func.func @_out_body(%arg0: i32, %arg1: memref<2000x128xf32, #tpu.memory_space<vmem>>, %arg2: memref<1x2000x128xf32, #tpu.memory_space<vmem>>, %arg3: memref<1x2000x128xf32, #tpu.memory_space<vmem>>, %arg4: memref<2000x1xf32, #tpu.memory_space<vmem>>, %arg5: memref<1x1xf32, #tpu.memory_space<vmem>>, %arg6: memref<1x1xf32, #tpu.memory_space<vmem>>, %arg7: memref<1x1xf32, #tpu.memory_space<vmem>>, %arg8: memref<2000x128xf32, #tpu.memory_space<vmem>>) attributes {dimension_semantics = [#tpu.dimension_semantics<arbitrary>], iteration_bounds = array<i64: 5>, scalar_prefetch = 0 : i64, scratch_operands = 0 : i64, tpu.core_type = #tpu.core_type<tc>, window_params = [{transform_indices = @transform_0, window_bounds = array<i64: 2000, 128>}, {transform_indices = @transform_1, window_bounds = array<i64: 1, 2000, 128>}, {transform_indices = @transform_2, window_bounds = array<i64: 1, 2000, 128>}, {transform_indices = @transform_3, window_bounds = array<i64: 2000, 1>}, {pipeline_mode = #tpu.pipeline_mode<synchronous>, transform_indices = @transform_4, window_bounds = array<i64: 1, 1>}, {pipeline_mode = #tpu.pipeline_mode<synchronous>, transform_indices = @transform_5, window_bounds = array<i64: 1, 1>}, {pipeline_mode = #tpu.pipeline_mode<synchronous>, transform_indices = @transform_6, window_bounds = array<i64: 1, 1>}, {transform_indices = @transform_7, window_bounds = array<i64: 2000, 128>}]} {
    %get3A = arith.constant 0 : index
    %get3A_0 = arith.constant 0 : index
    %get3A_1 = vector.load %arg6[%get3A, %get3A_0] : memref<1x1xf32, #tpu.memory_space<vmem>>, vector<1x1xf32>
    %squeeze3A = vector.extract %get3A_1[0, 0] : f32 from vector<1x1xf32>
    %logistic3A = arith.negf %squeeze3A : f32
    %logistic3A_2 = math.exp %logistic3A : f32
    %logistic3A_3 = arith.constant 1.000000e+00 : f32
    %logistic3A_4 = arith.addf %logistic3A_3, %logistic3A_2 : f32
    %logistic3A_5 = arith.divf %logistic3A_3, %logistic3A_4 : f32
    %add3A = arith.constant 1.000000e+00 : f32
    %add3A_6 = arith.addf %logistic3A_5, %add3A : f32
    %get3A_7 = arith.constant 0 : index
    %get3A_8 = arith.constant 0 : index
    %get3A_9 = vector.load %arg5[%get3A_7, %get3A_8] : memref<1x1xf32, #tpu.memory_space<vmem>>, vector<1x1xf32>
    %squeeze3A_10 = vector.extract %get3A_9[0, 0] : f32 from vector<1x1xf32>
    %get3A_11 = arith.constant 0 : index
    %get3A_12 = arith.constant 0 : index
    %get3A_13 = vector.load %arg7[%get3A_11, %get3A_12] : memref<1x1xf32, #tpu.memory_space<vmem>>, vector<1x1xf32>
    %squeeze3A_14 = vector.extract %get3A_13[0, 0] : f32 from vector<1x1xf32>
    %get3A_15 = arith.constant 0 : index
    %get3A_16 = arith.constant 0 : index
    %get3A_17 = vector.load %arg4[%get3A_15, %get3A_16] : memref<2000x1xf32, #tpu.memory_space<vmem>>, vector<2000x1xf32>
    %get3A_18 = arith.constant 0 : index
    %get3A_19 = arith.constant 0 : index
    %get3A_20 = arith.constant 0 : index
    %get3A_21 = vector.load %arg2[%get3A_18, %get3A_19, %get3A_20] : memref<1x2000x128xf32, #tpu.memory_space<vmem>>, vector<1x2000x128xf32>
    %get3A_22 = vector.shape_cast %get3A_21 : vector<1x2000x128xf32> to vector<2000x128xf32>
    %get3A_23 = arith.constant 0 : index
    %get3A_24 = arith.constant 0 : index
    %get3A_25 = arith.constant 0 : index
    %get3A_26 = vector.load %arg3[%get3A_23, %get3A_24, %get3A_25] : memref<1x2000x128xf32, #tpu.memory_space<vmem>>, vector<1x2000x128xf32>
    %get3A_27 = vector.shape_cast %get3A_26 : vector<1x2000x128xf32> to vector<2000x128xf32>
    %add3A_28 = arith.addf %get3A_22, %get3A_27 : vector<2000x128xf32>
    %mul3A = vector.broadcast %get3A_17 : vector<2000x1xf32> to vector<2000x128xf32>
    %mul3A_29 = arith.mulf %mul3A, %add3A_28 : vector<2000x128xf32>
    %add3A_30 = arith.constant 9.99999997E-7 : f32
    %add3A_31 = vector.broadcast %add3A_30 : f32 to vector<2000x128xf32>
    %add3A_32 = arith.addf %mul3A_29, %add3A_31 : vector<2000x128xf32>
    %div3A = arith.constant 1.000000e+00 : f32
    %div3A_33 = arith.divf %div3A, %add3A_6 : f32
    %pow3A = vector.broadcast %div3A_33 : f32 to vector<2000x128xf32>
    %pow3A_34 = math.powf %add3A_32, %pow3A : vector<2000x128xf32>
    %add3A_35 = arith.constant 1.000000e+00 : f32
    %add3A_36 = arith.addf %add3A_35, %squeeze3A_14 : f32
    %get3A_37 = arith.constant 0 : index
    %get3A_38 = arith.constant 0 : index
    %get3A_39 = vector.load %arg1[%get3A_37, %get3A_38] : memref<2000x128xf32, #tpu.memory_space<vmem>>, vector<2000x128xf32>
    %mul3A_40 = vector.broadcast %add3A_36 : f32 to vector<2000x128xf32>
    %mul3A_41 = arith.mulf %mul3A_40, %get3A_39 : vector<2000x128xf32>
    %add3A_42 = arith.addf %pow3A_34, %mul3A_41 : vector<2000x128xf32>
    %add3A_43 = vector.broadcast %squeeze3A_10 : f32 to vector<2000x128xf32>
    %add3A_44 = arith.addf %add3A_42, %add3A_43 : vector<2000x128xf32>
    %swap3A = arith.constant 0 : index
    %swap3A_45 = arith.constant 0 : index
    %swap3A_46 = vector.load %arg8[%swap3A, %swap3A_45] : memref<2000x128xf32, #tpu.memory_space<vmem>>, vector<2000x128xf32>
    tpu.vector_store %arg8[%swap3A, %swap3A_45], %add3A_44 {strides = array<i32>} : memref<2000x128xf32, #tpu.memory_space<vmem>>, vector<2000x128xf32>,
    return
  }
  func.func @transform_0(%arg0: i32) -> (i32, i32) {
    %c0_i32 = arith.constant 0 : i32
    %c0_i32_0 = arith.constant 0 : i32
    return %arg0, %c0_i32 : i32, i32
  }
  func.func @transform_1(%arg0: i32) -> (i32, i32, i32) {
    %c0_i32 = arith.constant 0 : i32
    %c0_i32_0 = arith.constant 0 : i32
    %c0_i32_1 = arith.constant 0 : i32
    return %c0_i32, %arg0, %c0_i32_0 : i32, i32, i32
  }
  func.func @transform_2(%arg0: i32) -> (i32, i32, i32) {
    %c1_i32 = arith.constant 1 : i32
    %c0_i32 = arith.constant 0 : i32
    %c0_i32_0 = arith.constant 0 : i32
    return %c1_i32, %arg0, %c0_i32 : i32, i32, i32
  }
  func.func @transform_3(%arg0: i32) -> (i32, i32) {
    %c0_i32 = arith.constant 0 : i32
    %c0_i32_0 = arith.constant 0 : i32
    return %arg0, %c0_i32 : i32, i32
  }
  func.func @transform_4(%arg0: i32) -> (i32, i32) {
    %c0_i32 = arith.constant 0 : i32
    %c0_i32_0 = arith.constant 0 : i32
    %c0_i32_1 = arith.constant 0 : i32
    return %c0_i32, %c0_i32_0 : i32, i32
  }
  func.func @transform_5(%arg0: i32) -> (i32, i32) {
    %c0_i32 = arith.constant 0 : i32
    %c0_i32_0 = arith.constant 0 : i32
    %c0_i32_1 = arith.constant 0 : i32
    return %c0_i32, %c0_i32_0 : i32, i32
  }
  func.func @transform_6(%arg0: i32) -> (i32, i32) {
    %c0_i32 = arith.constant 0 : i32
    %c0_i32_0 = arith.constant 0 : i32
    %c0_i32_1 = arith.constant 0 : i32
    return %c0_i32, %c0_i32_0 : i32, i32
  }
  func.func @transform_7(%arg0: i32) -> (i32, i32) {
    %c0_i32 = arith.constant 0 : i32
    %c0_i32_0 = arith.constant 0 : i32
    return %arg0, %c0_i32 : i32, i32
  }
}

</mosaic_0001>

<sc_bundles>
// kernel: kernel.6.cloned.1.call-start
scs
__scs_entry_jumppad:
0x0: {  	(pc) =	sbr.rel $0x88, $3  }
0x1: {  	(tag) =	ssettag $0x0;
	lr =	simm.s32 $0x1  }
0x2: {  	[smem:$0x3F9D] =	sst lr;
	_ =	strace $0xD0000000  }
0x3: {  	_ = 	snop  }
0x4: {  	_ = 	snop  }
0x5: {  	_ = 	snop  }
0x6: {  	_ = 	snop  }
0x7: {  	_ = 	snop  }
__scs_overlays_trampoline_lowered:
0x8: {  	[smem:$0x3FAC] =	sst s0  }
0x9: {  	[smem:$0x3FAD] =	sst s1  }
0xa: {  	[smem:$0x3FAE] =	sst s2  }
0xb: {  	[smem:$0x3FAF] =	sst s3  }
0xc: {  	[smem:$0x3FB0] =	sst s4  }
0xd: {  	[smem:$0x3FB1] =	sst s5  }
0xe: {  	[smem:$0x3FB2] =	sst s6  }
0xf: {  	[smem:$0x3FB3] =	sst s7  }
0x10: {  	[smem:$0x3FB4] =	sst s8  }
0x11: {  	[smem:$0x3FB5] =	sst s9;
	s0 =	simm.s32 @!p0 $0x0  }
0x12: {  	s1 =	sld [smem:$0x3F9B];
	s0 =	simm.s32 @p0 $0x1  }
0x13: {  	[smem:$0x3FB6] =	sst s0;
	s0 =	simm.s32 @!p1 $0x0  }
0x14: {  	s2 =	sld [smem:$0x3F9A];
	s0 =	simm.s32 @p1 $0x1  }
0x15: {  	[smem:$0x3FB7] =	sst s0;
	s0 =	simm.s32 @!p2 $0x0  }
0x16: {  	s3 =	sld [smem:$0x3FDB];
	s0 =	simm.s32 @p2 $0x1  }
0x17: {  	s4 =	simm.s32 $0x1BF5;
	[smem:$0x3FB9] =	sst s0  }
0x18: {  	s0 =	sld [smem:$0x3F9C];
	_ =	swait.ge [sflag:s4], $0x0  }
0x19: {  	s7 =	sld [smem:$0x3F9D]  }
0x1a: {  	s8 =	sadd.s32 $0xFFFFE003, lr  }
0x1b: {  	s9 =	sadd.s32 $0xFFFFFEF7, lr;
	s5 =	simm.s32 $0xFFFFFFFF;
	p2 =	slt.u32 s8, $0xFFFFF086  }
0x1c: {  	p1 =	slt.u32 s9, $0xF7A;
	s5 =	simm.s32 @!p2 $0x0  }
0x1d: {  	s5 =	simm.s32 @p1 $0x1;
	p0 =	seq.s32 s7, s2  }
0x1e: {  	s7 =	smul.u32 @!p0 $0xF7A, s2;
	p2 =	seq.s32 @!p0 s5, $0x0  }
0x1f: {  	s9 =	smul.u32 $0xF7A, s1;
	s8 =	simm.s32 @!p0 $0x1BF5;
	p2 =	por !p2, p0  }
0x20: {  	[sflag:s8] =	ssyncset.s32 @!p0 $0xFFFFF086;
	s6 =	sadd.s32 @!p0 s3, s7;
	s7 =	simm.s32 @!p0 $0x108  }
0x21: {  	s3 =	sadd.s32 s3, s9;
	s6 =	sadd.s32 @!p0 $0x88, s6;
	s7 =	simm.s32 @p2 $0x1082  }
0x22: {  	[simem:s7], [sflag:s8] =	dma.local @!p0 [hbm:s6], $0xF7A  }
0x23: {  	s9 =	sor.u32 $0xD0000000, s2;
	s6 =	simm.s32 $0x108;
	_ =	swait.ge @!p0 [sflag:s8], $0x0  }
0x24: {  	s3 =	sadd.s32 $0x88, s3;
	s6 =	simm.s32 @!p1 $0x1082;
	[sflag:s4] =	ssyncset.s32 $0xFFFFF086  }
0x25: {  	[simem:s6], [sflag:s4] =	dma.local [hbm:s3], $0xF7A  }
0x26: {  	[smem:$0x3F9D] =	sst s1;
	(tag) =	ssettag s2;
	_ =	strace s9  }
0x27: {  	s1 =	sld [smem:$0x3FAD]  }
0x28: {  	s2 =	sld [smem:$0x3FAE]  }
0x29: {  	s4 =	sld [smem:$0x3FB0]  }
0x2a: {  	p0 =	seq.s32 s5, $0x0;
	s5 =	sld [smem:$0x3FB1]  }
0x2b: {  	s6 =	sld [smem:$0x3FB2]  }
0x2c: {  	s7 =	sld [smem:$0x3FB3]  }
0x2d: {  	s3 =	simm.s32 $0x108;
	s8 =	sld [smem:$0x3FB4]  }
0x2e: {  	s3 =	simm.s32 @!p0 $0x1082;
	s9 =	sld [smem:$0x3FB5]  }
0x2f: {  	lr =	sadd.s32 s0, s3;
	s0 =	sld [smem:$0x3FAC]  }
0x30: {  	s3 =	sld [smem:$0x3FAF]  }
0x31: {  	[smem:$0x3FB8] =	sst s10  }
0x32: {  	s10 =	sld [smem:$0x3FB6];
	_ =	sdelay $0x3  }
0x33: {  	p0 =	seq.s32 s10, $0x1;
	s10 =	sld [smem:$0x3FB8];
	_ =	sdelay $0x3  }
0x34: {  	[smem:$0x3FB8] =	sst s10  }
0x35: {  	s10 =	sld [smem:$0x3FB7];
	_ =	sdelay $0x3  }
0x36: {  	p1 =	seq.s32 s10, $0x1;
	s10 =	sld [smem:$0x3FB8];
	_ =	sdelay $0x3  }
0x37: {  	[smem:$0x3FB8] =	sst s10  }
0x38: {  	s10 =	sld [smem:$0x3FB9]  }
0x39: {  	_ = 	snop;
	(pc) =	sbr.ind lr, $3  }
0x3a: {  	_ = 	snop  }
0x3b: {  	_ = 	snop  }
0x3c: {  	p2 =	seq.s32 s10, $0x1;
	s10 =	sld [smem:$0x3FB8]  }
0x3d: {  	_ =	shalt  }
0x3e: {  	_ =	shalt  }
0x3f: {  	_ =	shalt  }
0x40: {  	_ =	shalt  }
0x41: {  	_ =	shalt  }
0x42: {  	_ =	shalt  }
0x43: {  	_ =	shalt  }
0x44: {  	_ =	shalt  }
0x45: {  	_ =	shalt  }
0x46: {  	_ =	shalt  }
0x47: {  	_ =	shalt  }
0x48: {  	_ =	shalt  }
0x49: {  	_ =	shalt  }
0x4a: {  	_ =	shalt  }
0x4b: {  	_ =	shalt  }
0x4c: {  	_ =	shalt  }
0x4d: {  	_ =	shalt  }
0x4e: {  	_ =	shalt  }
0x4f: {  	_ =	shalt  }
0x50: {  	_ =	shalt  }
0x51: {  	_ =	shalt  }
0x52: {  	_ =	shalt  }
0x53: {  	_ =	shalt  }
0x54: {  	_ =	shalt  }
0x55: {  	_ =	shalt  }
0x56: {  	_ =	shalt  }
0x57: {  	_ =	shalt  }
0x58: {  	_ =	shalt  }
0x59: {  	_ =	shalt  }
0x5a: {  	_ =	shalt  }
0x5b: {  	_ =	shalt  }
0x5c: {  	_ =	shalt  }
0x5d: {  	_ =	shalt  }
0x5e: {  	_ =	shalt  }
0x5f: {  	_ =	shalt  }
0x60: {  	_ =	shalt  }
0x61: {  	_ =	shalt  }
0x62: {  	_ =	shalt  }
0x63: {  	_ =	shalt  }
0x64: {  	_ =	shalt  }
0x65: {  	_ =	shalt  }
0x66: {  	_ =	shalt  }
0x67: {  	_ =	shalt  }
0x68: {  	_ =	shalt  }
0x69: {  	_ =	shalt  }
0x6a: {  	_ =	shalt  }
0x6b: {  	_ =	shalt  }
0x6c: {  	_ =	shalt  }
0x6d: {  	_ =	shalt  }
0x6e: {  	_ =	shalt  }
0x6f: {  	_ =	shalt  }
0x70: {  	_ =	shalt  }
0x71: {  	_ =	shalt  }
0x72: {  	_ =	shalt  }
0x73: {  	_ =	shalt  }
0x74: {  	_ =	shalt  }
0x75: {  	_ =	shalt  }
0x76: {  	_ =	shalt  }
0x77: {  	_ =	shalt  }
0x78: {  	_ =	shalt  }
0x79: {  	_ =	shalt  }
0x7a: {  	_ =	shalt  }
0x7b: {  	_ =	shalt  }
0x7c: {  	_ =	shalt  }
0x7d: {  	_ =	shalt  }
0x7e: {  	_ =	shalt  }
0x7f: {  	_ =	shalt  }
0x80: {  	_ =	shalt  }
0x81: {  	_ =	shalt  }
0x82: {  	_ =	shalt  }
0x83: {  	_ =	shalt  }
0x84: {  	_ =	shalt  }
0x85: {  	_ =	shalt  }
0x86: {  	_ =	shalt  }
0x87: {  	_ =	shalt  }
.Lfunc_end0:
.L_simem_size_0:
called_computation_lowered:
.L_overlay_start_0:
0x88: {  	s2 =	sld [smem:$0x3FD9]  }
0x89: {  	s3 =	sld [smem:$0x3FFE];
	_ =	sdelay $0x1  }
0x8a: {  	s1 =	srdreg.scid  }
0x8b: {  	s0 =	sand.u32 $0x1, s1  }
0x8c: {  	s16 =	sshll.u32 s0, $0xA;
	s2 =	sadd.s32 s3, s2  }
0x8d: {  	s2 =	sadd.s32 s2, s16  }
0x8e: {  	[smem:$0x3FC4] =	sst s2  }
0x8f: {  	_ = 	snop  }
0x90: {  	(tm) =	ssettm $0x1  }
0x91: {  	s17 =	sld [smem:$0x3FFB];
	_ =	sdelay $0x3  }
0x92: {  	_ =	strace s17  }
0x93: {  	s2 =	sld [smem:$0x3FFC];
	_ =	sdelay $0x3  }
0x94: {  	_ =	strace s2  }
0x95: {  	s2 =	sld [smem:$0x3FFD];
	_ =	sdelay $0x3  }
0x96: {  	_ =	strace s2  }
0x97: {  	_ =	strace $0x8FFFFFFF  }
0x98: {  	s18 =	sld [smem:$0x3FDB];
	_ =	sdelay $0x1  }
0x99: {  	s19 =	simm.s32 $_scs_section_size  }
0x9a: {  	s4 =	simm.s32 $_size__tile_overlayer_lowered;
	s5 =	simm.s32 $_tile_overlayer_lowered  }
0x9b: {  	s22 =	simm.s32 $0x1BFF;
	s21 =	sshll.u32 s5, $0x1;
	s2 =	sadd.s32 s19, s18  }
0x9c: {  	s6 =	simm.s32 $0x0;
	s20 =	sshll.u32 s4, $0x1;
	s4 =	sadd.s32 s21, s2  }
0x9d: {  	[timem:s6], [sflag:s22] =	dma.local [hbm:s4], s20  }
0x9e: {  	_ =	swait.ge [sflag:s22], s20  }
0x9f: {  	s3 =	ssub.s32 $0x0, s20;
	[sflag:s22] =	ssyncset.done $0x0  }
0xa0: {  	[sflag:s22] =	ssyncadd.s32 s3;
	_ =	sdelay $0x1  }
0xa1: {  	s23 =	simm.s32 $0x1B8B  }
0xa2: {  	_ =	swait.ge [sflag:s23], $0x1  }
0xa3: {  	[sflag:s23] =	ssyncset.done $0x0  }
0xa4: {  	s25 =	simm.s32 $0x1B8E;
	s24 =	sld [smem:$0x3FFE];
	[sflag:s23] =	ssyncadd.s32 $0xFFFFFFFF  }
0xa5: {  	s26 =	simm.s32 $execute0_lowered;
	[smem:$0x3FD2] =	sst s25  }
0xa6: {  	s4 =	sshll.u32 s26, $0x1;
	_ =	strace $0x80000046;
	[dreg:$0x1] =	wrdreg $0xFFFFFFFF  }
0xa7: {  	s28 =	simm.s32 $_size_execute0_lowered;
	s2 =	sadd.s32 s2, s4;
	[dreg:$0x0] =	wrdreg $0x0  }
0xa8: {  	s4 =	sshll.u32 s28, $0x1;
	[dreg:$0x2] =	wrdreg s2  }
0xa9: {  	[dreg:$0x3] =	wrdreg s4  }
0xaa: {  	[dreg:$0x4] =	wrdreg $0xC0  }
0xab: {  	_ =	task [dreg:s6], $0x5FFFF  }
0xac: {  	[dreg:$0x1] =	wrdreg $0xFFFFFFFF  }
0xad: {  	[dreg:$0x0] =	wrdreg $0x60  }
0xae: {  	[dreg:$0x2] =	wrdreg s24  }
0xaf: {  	[dreg:$0x3] =	wrdreg $0x68000  }
0xb0: {  	[dreg:$0x4] =	wrdreg $0x9  }
0xb1: {  	_ =	task.clear_ibuf [dreg:s6], $0x5FFFF;
	_ =	strace $0x90000046  }
0xb2: {  	s29 =	simm.s32 $0x9;
	_ =	strace $0x80000048  }
0xb3: {  	_ =	swait.ge [sflag:s29], $0x1  }
0xb4: {  	[sflag:s29] =	ssyncadd.s32 $0xFFFFFFFF  }
0xb5: {  	_ =	strace $0x90000048  }
0xb6: {  	_ =	sfence  }
0xb7: {  	s30 =	sld [smem:$0x0];
	_ =	sdelay $0x2  }
0xb8: {  	s31 =	sshll.u32 s1, $0xD;
	s1 =	sshrl.u32 s1, $0x2  }
0xb9: {  	s3 =	sand.u32 $0x4000, s31;
	s1 =	sadd.s32 s1, s30  }
0xba: {  	s0 =	sor.u32 s3, s0;
	s1 =	sshll.u32 s1, $0x11  }
0xbb: {  	s0 =	sor.u32 s1, s0  }
0xbc: {  	s0 =	sadd.s32 $0x8F2B, s0  }
0xbd: {  	[sflag:s0] =	ssyncadd.remote.s32 $0x1  }
0xbe: {  	_ =	sfence.sel $0xFFFF  }
0xbf: {  	[dreg:$0x0] =	wrdreg $0xFFFFFFFF;
	(pc) =	sbr.abs _section_cstart, $3  }
0xc0: {  	[dreg:$0x1] =	wrdreg $0xFFFFFFFF  }
0xc1: {  	_ =	task.clear_ibuf [dreg:s6], $0x2FFFF;
	_ =	strace $0x9FFFFFFF  }
0xc2: {  	(tm) =	ssettm $0x7FFFFFFF  }
0xc3: {  	_ =	shalt  }
tec
execute0_lowered:
.L_overlay_start_1:
0x0: {  	(tag) =	ssettag $0x1  }
0x1: {  	s7 =	rddreg [dreg:$0x0]  }
0x2: {  	s0 =	srdreg.scid;
	s2 =	rddreg [dreg:$0x1]  }
0x3: {  	s3 =	simm.s32 $0x0;
	s16 =	simm.s32 $0x2800;
	s6 =	sand.u32 $0x1, s0  }
0x4: {  	s17 =	simm.s32 $0x80;
	s0 =	stileid.u32;
	s5 =	smul.u32 $0x140000, s6  }
0x5: {  	s18 =	simm.s32 $0x1;
	s19 =	simm.s32 $0x0;
	s8 =	smul.u32 $0x14000, s0  }
0x6: {  	[smem:$0x7FF] =	sst s3;
	s1 =	sshll.u32 s6, $0x4;
	s10 =	smul.u32 $0x50000, s0  }
0x7: {  	s6 =	ssub.s32 $0x2, s6;
	s31 =	sshll.u32 s0, $0x6;
	s1 =	sor.u32 s0, s1  }
0x8: {  	s30 =	sshrl.u32 s6, $0x1;
	s4 =	smul.u32 $0x500, s1;
	s1 =	rddreg [dreg:$0x2]  }
0x9: {  	_ =	strace $0x80000047;
	s8 =	sadd.s32 s8, s5;
	s5 =	sadd.s32 $0xB800, s7  }
0xa: {  	s10 =	sshrl.u32 s10, $0x2;
	s11 =	ssub.s32 s6, s30;
	s6 =	sor.u32 $0x1C02, s31  }
0xb: {  	s8 =	sshrl.u32 s8, $0x3;
	s10 =	sadd.s32 s10, s2;
	s9 =	sadd.s32 s4, s7  }
0xc: {  	s4 =	sadd.s32 $0xC000, s7;
	s8 =	sadd.s32 s8, s7;
	s12 =	sadd.s32 $0x4000, s10  }
0xd: {  	s13 =	sadd.s32 $0x8000, s10;
	s14 =	sadd.s32 $0xC000, s10;
	s15 =	sadd.s32 $0x10000, s10  }
0xe: {  	s10 =	sshrl.u32 s10, $0x3;
	s7 =	sadd.s32 $0x1800, s9;
	s8 =	sadd.s32 $0xC800, s8  }
0xf: {  	s9 =	smax.u32 s11, $0x1;
	s11 =	simm.s32 $0x2;
	s12 =	sshrl.u32 s12, $0x3  }
0x10: {  	s13 =	sshrl.u32 s13, $0x3;
	s14 =	sshrl.u32 s14, $0x3;
	s15 =	sshrl.u32 s15, $0x3  }
.LBB2_1:
0x11: {  	[spmem:s10], [sflag:s6] =	dma.local [hbm:s5], $0x800  }
0x12: {  	_ =	swait.ge [sflag:s11], $0x800  }
0x13: {  	[sflag:s11] =	ssyncset.done $0x0  }
0x14: {  	[sflag:s11] =	ssyncadd.s32 $0xFFFFF800  }
0x15: {  	[spmem:s12], [sflag:s6] =	dma.local [hbm:s5], $0x800  }
0x16: {  	_ =	swait.ge [sflag:s11], $0x800  }
0x17: {  	[sflag:s11] =	ssyncset.done $0x0  }
0x18: {  	[sflag:s11] =	ssyncadd.s32 $0xFFFFF800  }
0x19: {  	[spmem:s13], [sflag:s6] =	dma.local [hbm:s5], $0x800  }
0x1a: {  	_ =	swait.ge [sflag:s11], $0x800  }
0x1b: {  	[sflag:s11] =	ssyncset.done $0x0  }
0x1c: {  	[sflag:s11] =	ssyncadd.s32 $0xFFFFF800  }
0x1d: {  	[spmem:s14], [sflag:s6] =	dma.local [hbm:s5], $0x800  }
0x1e: {  	_ =	swait.ge [sflag:s11], $0x800  }
0x1f: {  	[sflag:s11] =	ssyncset.done $0x0  }
0x20: {  	[sflag:s11] =	ssyncadd.s32 $0xFFFFF800  }
0x21: {  	[spmem:s15], [sflag:s6] =	dma.local [hbm:s5], $0x800  }
0x22: {  	_ =	swait.ge [sflag:s11], $0x800  }
0x23: {  	[sflag:s11] =	ssyncset.done $0x0  }
0x24: {  	[sflag:s11] =	ssyncadd.s32 $0xFFFFF800  }
0x25: {  	[tilespmem:s16], [sflag:$0x2] =	stream.linear.gather [hbm4b:s4+s3], $0x4000, $0x38;
	[tilespmem:$0x1A800] =	vst v63  }
0x26: {  	_ =	swait.ge [sflag:s11], $0x4000  }
0x27: {  	[sflag:s11] =	ssyncset.done $0x0  }
0x28: {  	[sflag:s11] =	ssyncadd.s32 $0xFFFFC000  }
0x29: {  	[tilespmem:s3], [sflag:$0x2] =	stream.linear.gather [hbm4b:s7+s3], $0x2800, $0x38;
	[tilespmem:$0x1A800] =	vst v63  }
0x2a: {  	_ =	swait.ge [sflag:s11], $0x2800  }
0x2b: {  	[sflag:s11] =	ssyncset.done $0x0  }
0x2c: {  	[sflag:s11] =	ssyncadd.s32 $0xFFFFD800  }
0x2d: {  	s20 =	simm.s32 $0x0;
	[bflag:$0x0] =	sbarrier.arrive $0xFFFF  }
.LBB2_2:
0x2e: {  	p0 =	sne.s32 s20, $0x9E00  }
.Ltmp0:
0x2f: {  	_ = 	snop;
	(pc) =	sbr.rel @p0 .LBB2_2-.Ltmp0, $3  }
0x30: {  	_ =	sdelay $0x1  }
0x31: {  	s21 =	sshra.s32 s20, $0x2;
	s20 =	sadd.s32 $0x200, s20  }
0x32: {  	[spmem:s2] =	stream.indirect.scatter.add.f32 [tilespmem:s16], [sflag:$0x1], $0x80, s21, s17, $0xb8;
	[tilespmem:$0x1A800] =	vst v63  }
0x33: {  	_ =	swait.ge [sflag:s18], $0x4000  }
0x34: {  	s20 =	simm.s32 $0x4F;
	[sflag:s18] =	ssyncset.done $0x0  }
.LBB2_4:
0x35: {  	p0 =	sne.s32 s20, $0x1;
	s20 =	sadd.s32 $0xFFFFFFFF, s20;
	[sflag:s18] =	ssyncadd.s32 $0xFFFFC000  }
.Ltmp1:
0x36: {  	(pc) =	sbr.rel @p0 .LBB2_4-.Ltmp1, $3  }
0x37: {  	_ =	sdelay $0x1  }
0x38: {  	_ =	swait.ge [sflag:s18], $0x4000  }
0x39: {  	[sflag:s18] =	ssyncset.done $0x0  }
0x3a: {  	s19 =	sadd.s32 $0x1, s19  }
0x3b: {  	[sflag:s18] =	ssyncadd.s32 $0xFFFFC000;
	p0 =	sne.s32 s19, s9  }
.Ltmp2:
0x3c: {  	[bflag:$0x0] =	sbarrier.arrive $0xFFFF;
	(pc) =	sbr.rel @p0 .LBB2_1-.Ltmp2, $4  }
0x3d: {  	[hbm:s8], [sflag:s6] =	dma.local [spmem:s10], $0x2800  }
0x3e: {  	_ =	swait.ge [sflag:s11], $0x2800  }
0x3f: {  	[sflag:s11] =	ssyncset.done $0x0  }
0x40: {  	[sflag:s11] =	ssyncadd.s32 $0xFFFFD800  }
0x41: {  	_ =	sfence.sel $0x180000  }
0x42: {  	[bflag:$0x0] =	sbarrier.arrive $0xFFFF  }
0x43: {  	p0 =	sne.s32 s0, $0x0;
	_ =	strace $0x90000047  }
0x44: {  	s0 =	sadd.s32 @!p0 $0x100000, s1;
	[bflag:$0x2] =	sbarrier.arrive $0xFFFF  }
0x45: {  	[sflag:s0] =	ssyncadd.tile.s32 @!p0 $0x1;
	_ =	shalt  }
.Lfunc_end2:
_tile_overlayer_lowered:
.L_overlay_start_2:
0x46: {  	(tag) =	ssettag $0x2  }
0x47: {  	s0 =	rddreg [dreg:$0x0];
	s2 =	stileid.u32  }
0x48: {  	s1 =	rddreg [dreg:$0x1];
	p0 =	sne.s32 s2, $0x0  }
0x49: {  	s3 =	rddreg [dreg:$0x2];
	[bflag:$0x3] =	sbarrier.arrive $0xFFFF;
	s2 =	simm.s32 @!p0 $0x1C02  }
0x4a: {  	[timem:s3], [sflag:s2] =	dma.local @!p0 [hbm:s0], s1  }
0x4b: {  	s0 =	simm.s32 @!p0 $0x2  }
0x4c: {  	_ =	swait.ge @!p0 [sflag:s0], s1  }
0x4d: {  	s1 =	ssub.s32 @!p0 $0x0, s1;
	[sflag:s0] =	ssyncset.done @!p0 $0x0  }
0x4e: {  	[sflag:s0] =	ssyncadd.s32 @!p0 s1  }
0x4f: {  	[bflag:$0x3] =	sbarrier.arrive $0xFFFF  }
0x50: {  	_ =	shalt  }

// kernel: kernel.9.cloned.1.call-start
scs
__scs_entry_jumppad:
0x0: {  	(pc) =	sbr.rel $0x88, $3  }
0x1: {  	(tag) =	ssettag $0x0;
	lr =	simm.s32 $0x1  }
0x2: {  	[smem:$0x3F9D] =	sst lr;
	_ =	strace $0xD0000000  }
0x3: {  	_ = 	snop  }
0x4: {  	_ = 	snop  }
0x5: {  	_ = 	snop  }
0x6: {  	_ = 	snop  }
0x7: {  	_ = 	snop  }
__scs_overlays_trampoline_lowered:
0x8: {  	[smem:$0x3FAC] =	sst s0  }
0x9: {  	[smem:$0x3FAD] =	sst s1  }
0xa: {  	[smem:$0x3FAE] =	sst s2  }
0xb: {  	[smem:$0x3FAF] =	sst s3  }
0xc: {  	[smem:$0x3FB0] =	sst s4  }
0xd: {  	[smem:$0x3FB1] =	sst s5  }
0xe: {  	[smem:$0x3FB2] =	sst s6  }
0xf: {  	[smem:$0x3FB3] =	sst s7  }
0x10: {  	[smem:$0x3FB4] =	sst s8  }
0x11: {  	[smem:$0x3FB5] =	sst s9;
	s0 =	simm.s32 @!p0 $0x0  }
0x12: {  	s1 =	sld [smem:$0x3F9B];
	s0 =	simm.s32 @p0 $0x1  }
0x13: {  	[smem:$0x3FB6] =	sst s0;
	s0 =	simm.s32 @!p1 $0x0  }
0x14: {  	s2 =	sld [smem:$0x3F9A];
	s0 =	simm.s32 @p1 $0x1  }
0x15: {  	[smem:$0x3FB7] =	sst s0;
	s0 =	simm.s32 @!p2 $0x0  }
0x16: {  	s3 =	sld [smem:$0x3FDB];
	s0 =	simm.s32 @p2 $0x1  }
0x17: {  	s4 =	simm.s32 $0x1BF5;
	[smem:$0x3FB9] =	sst s0  }
0x18: {  	s0 =	sld [smem:$0x3F9C];
	_ =	swait.ge [sflag:s4], $0x0  }
0x19: {  	s7 =	sld [smem:$0x3F9D]  }
0x1a: {  	s8 =	sadd.s32 $0xFFFFE003, lr  }
0x1b: {  	s9 =	sadd.s32 $0xFFFFFEF7, lr;
	s5 =	simm.s32 $0xFFFFFFFF;
	p2 =	slt.u32 s8, $0xFFFFF086  }
0x1c: {  	p1 =	slt.u32 s9, $0xF7A;
	s5 =	simm.s32 @!p2 $0x0  }
0x1d: {  	s5 =	simm.s32 @p1 $0x1;
	p0 =	seq.s32 s7, s2  }
0x1e: {  	s7 =	smul.u32 @!p0 $0xF7A, s2;
	p2 =	seq.s32 @!p0 s5, $0x0  }
0x1f: {  	s9 =	smul.u32 $0xF7A, s1;
	s8 =	simm.s32 @!p0 $0x1BF5;
	p2 =	por !p2, p0  }
0x20: {  	[sflag:s8] =	ssyncset.s32 @!p0 $0xFFFFF086;
	s6 =	sadd.s32 @!p0 s3, s7;
	s7 =	simm.s32 @!p0 $0x108  }
0x21: {  	s3 =	sadd.s32 s3, s9;
	s6 =	sadd.s32 @!p0 $0x88, s6;
	s7 =	simm.s32 @p2 $0x1082  }
0x22: {  	[simem:s7], [sflag:s8] =	dma.local @!p0 [hbm:s6], $0xF7A  }
0x23: {  	s9 =	sor.u32 $0xD0000000, s2;
	s6 =	simm.s32 $0x108;
	_ =	swait.ge @!p0 [sflag:s8], $0x0  }
0x24: {  	s3 =	sadd.s32 $0x88, s3;
	s6 =	simm.s32 @!p1 $0x1082;
	[sflag:s4] =	ssyncset.s32 $0xFFFFF086  }
0x25: {  	[simem:s6], [sflag:s4] =	dma.local [hbm:s3], $0xF7A  }
0x26: {  	[smem:$0x3F9D] =	sst s1;
	(tag) =	ssettag s2;
	_ =	strace s9  }
0x27: {  	s1 =	sld [smem:$0x3FAD]  }
0x28: {  	s2 =	sld [smem:$0x3FAE]  }
0x29: {  	s4 =	sld [smem:$0x3FB0]  }
0x2a: {  	p0 =	seq.s32 s5, $0x0;
	s5 =	sld [smem:$0x3FB1]  }
0x2b: {  	s6 =	sld [smem:$0x3FB2]  }
0x2c: {  	s7 =	sld [smem:$0x3FB3]  }
0x2d: {  	s3 =	simm.s32 $0x108;
	s8 =	sld [smem:$0x3FB4]  }
0x2e: {  	s3 =	simm.s32 @!p0 $0x1082;
	s9 =	sld [smem:$0x3FB5]  }
0x2f: {  	lr =	sadd.s32 s0, s3;
	s0 =	sld [smem:$0x3FAC]  }
0x30: {  	s3 =	sld [smem:$0x3FAF]  }
0x31: {  	[smem:$0x3FB8] =	sst s10  }
0x32: {  	s10 =	sld [smem:$0x3FB6];
	_ =	sdelay $0x3  }
0x33: {  	p0 =	seq.s32 s10, $0x1;
	s10 =	sld [smem:$0x3FB8];
	_ =	sdelay $0x3  }
0x34: {  	[smem:$0x3FB8] =	sst s10  }
0x35: {  	s10 =	sld [smem:$0x3FB7];
	_ =	sdelay $0x3  }
0x36: {  	p1 =	seq.s32 s10, $0x1;
	s10 =	sld [smem:$0x3FB8];
	_ =	sdelay $0x3  }
0x37: {  	[smem:$0x3FB8] =	sst s10  }
0x38: {  	s10 =	sld [smem:$0x3FB9]  }
0x39: {  	_ = 	snop;
	(pc) =	sbr.ind lr, $3  }
0x3a: {  	_ = 	snop  }
0x3b: {  	_ = 	snop  }
0x3c: {  	p2 =	seq.s32 s10, $0x1;
	s10 =	sld [smem:$0x3FB8]  }
0x3d: {  	_ =	shalt  }
0x3e: {  	_ =	shalt  }
0x3f: {  	_ =	shalt  }
0x40: {  	_ =	shalt  }
0x41: {  	_ =	shalt  }
0x42: {  	_ =	shalt  }
0x43: {  	_ =	shalt  }
0x44: {  	_ =	shalt  }
0x45: {  	_ =	shalt  }
0x46: {  	_ =	shalt  }
0x47: {  	_ =	shalt  }
0x48: {  	_ =	shalt  }
0x49: {  	_ =	shalt  }
0x4a: {  	_ =	shalt  }
0x4b: {  	_ =	shalt  }
0x4c: {  	_ =	shalt  }
0x4d: {  	_ =	shalt  }
0x4e: {  	_ =	shalt  }
0x4f: {  	_ =	shalt  }
0x50: {  	_ =	shalt  }
0x51: {  	_ =	shalt  }
0x52: {  	_ =	shalt  }
0x53: {  	_ =	shalt  }
0x54: {  	_ =	shalt  }
0x55: {  	_ =	shalt  }
0x56: {  	_ =	shalt  }
0x57: {  	_ =	shalt  }
0x58: {  	_ =	shalt  }
0x59: {  	_ =	shalt  }
0x5a: {  	_ =	shalt  }
0x5b: {  	_ =	shalt  }
0x5c: {  	_ =	shalt  }
0x5d: {  	_ =	shalt  }
0x5e: {  	_ =	shalt  }
0x5f: {  	_ =	shalt  }
0x60: {  	_ =	shalt  }
0x61: {  	_ =	shalt  }
0x62: {  	_ =	shalt  }
0x63: {  	_ =	shalt  }
0x64: {  	_ =	shalt  }
0x65: {  	_ =	shalt  }
0x66: {  	_ =	shalt  }
0x67: {  	_ =	shalt  }
0x68: {  	_ =	shalt  }
0x69: {  	_ =	shalt  }
0x6a: {  	_ =	shalt  }
0x6b: {  	_ =	shalt  }
0x6c: {  	_ =	shalt  }
0x6d: {  	_ =	shalt  }
0x6e: {  	_ =	shalt  }
0x6f: {  	_ =	shalt  }
0x70: {  	_ =	shalt  }
0x71: {  	_ =	shalt  }
0x72: {  	_ =	shalt  }
0x73: {  	_ =	shalt  }
0x74: {  	_ =	shalt  }
0x75: {  	_ =	shalt  }
0x76: {  	_ =	shalt  }
0x77: {  	_ =	shalt  }
0x78: {  	_ =	shalt  }
0x79: {  	_ =	shalt  }
0x7a: {  	_ =	shalt  }
0x7b: {  	_ =	shalt  }
0x7c: {  	_ =	shalt  }
0x7d: {  	_ =	shalt  }
0x7e: {  	_ =	shalt  }
0x7f: {  	_ =	shalt  }
0x80: {  	_ =	shalt  }
0x81: {  	_ =	shalt  }
0x82: {  	_ =	shalt  }
0x83: {  	_ =	shalt  }
0x84: {  	_ =	shalt  }
0x85: {  	_ =	shalt  }
0x86: {  	_ =	shalt  }
0x87: {  	_ =	shalt  }
.Lfunc_end0:
.L_simem_size_0:
called_computation.1_lowered:
.L_overlay_start_0:
0x88: {  	s2 =	sld [smem:$0x3FD9]  }
0x89: {  	s3 =	sld [smem:$0x3FFE];
	_ =	sdelay $0x1  }
0x8a: {  	s1 =	srdreg.scid  }
0x8b: {  	s0 =	sand.u32 $0x1, s1  }
0x8c: {  	s17 =	sshll.u32 s0, $0xA;
	s2 =	sadd.s32 s3, s2  }
0x8d: {  	s2 =	sadd.s32 s2, s17  }
0x8e: {  	[smem:$0x3FC4] =	sst s2  }
0x8f: {  	_ = 	snop  }
0x90: {  	s2 =	sld [smem:$0x3FD0];
	(tm) =	ssettm $0x1  }
0x91: {  	s18 =	sld [smem:$0x3FFB];
	_ =	sdelay $0x3  }
0x92: {  	_ =	strace s18  }
0x93: {  	s3 =	sld [smem:$0x3FFC];
	_ =	sdelay $0x3  }
0x94: {  	_ =	strace s3  }
0x95: {  	s3 =	sld [smem:$0x3FFD];
	_ =	sdelay $0x3  }
0x96: {  	_ =	strace s3  }
0x97: {  	_ =	strace $0x8FFFFFFF  }
0x98: {  	s19 =	sld [smem:$0x3FDB];
	_ =	sdelay $0x1  }
0x99: {  	s4 =	simm.s32 $_scs_section_size  }
0x9a: {  	s5 =	simm.s32 $_size__tile_overlayer_lowered;
	s6 =	simm.s32 $_tile_overlayer_lowered  }
0x9b: {  	s22 =	simm.s32 $0x1BFF;
	s21 =	sshll.u32 s6, $0x1;
	s3 =	sadd.s32 s4, s19  }
0x9c: {  	s7 =	simm.s32 $0x0;
	s20 =	sshll.u32 s5, $0x1;
	s5 =	sadd.s32 s21, s3  }
0x9d: {  	[timem:s7], [sflag:s22] =	dma.local [hbm:s5], s20  }
0x9e: {  	_ =	swait.ge [sflag:s22], s20  }
0x9f: {  	s4 =	ssub.s32 $0x0, s20;
	[sflag:s22] =	ssyncset.done $0x0  }
0xa0: {  	[sflag:s22] =	ssyncadd.s32 s4;
	_ =	sdelay $0x1  }
0xa1: {  	s23 =	simm.s32 $0x1B8B  }
0xa2: {  	_ =	swait.ge [sflag:s23], $0x1  }
0xa3: {  	[sflag:s23] =	ssyncset.done $0x0  }
0xa4: {  	s25 =	simm.s32 $0x1B8E;
	s24 =	sld [smem:$0x3FFE];
	[sflag:s23] =	ssyncadd.s32 $0xFFFFFFFF  }
0xa5: {  	s26 =	simm.s32 $execute0_lowered;
	[smem:$0x3FD2] =	sst s25  }
0xa6: {  	s5 =	sshll.u32 s26, $0x1;
	_ =	strace $0x80000049;
	[dreg:$0x1] =	wrdreg $0xFFFFFFFF  }
0xa7: {  	s28 =	simm.s32 $_size_execute0_lowered;
	s3 =	sadd.s32 s3, s5;
	[dreg:$0x0] =	wrdreg $0x0  }
0xa8: {  	s5 =	sshll.u32 s28, $0x1;
	[dreg:$0x2] =	wrdreg s3  }
0xa9: {  	[dreg:$0x3] =	wrdreg s5  }
0xaa: {  	[dreg:$0x4] =	wrdreg $0xC0  }
0xab: {  	_ =	task [dreg:s7], $0x5FFFF  }
0xac: {  	[dreg:$0x1] =	wrdreg $0xFFFFFFFF  }
0xad: {  	[dreg:$0x0] =	wrdreg $0x60  }
0xae: {  	[dreg:$0x2] =	wrdreg s24  }
0xaf: {  	[dreg:$0x3] =	wrdreg s2  }
0xb0: {  	[dreg:$0x4] =	wrdreg $0xA8000  }
0xb1: {  	[dreg:$0x5] =	wrdreg $0x9  }
0xb2: {  	_ =	task.clear_ibuf [dreg:s7], $0x6FFFF;
	_ =	strace $0x90000049  }
0xb3: {  	s29 =	simm.s32 $0x9;
	_ =	strace $0x8000004B  }
0xb4: {  	_ =	swait.ge [sflag:s29], $0x1  }
0xb5: {  	[sflag:s29] =	ssyncadd.s32 $0xFFFFFFFF  }
0xb6: {  	_ =	strace $0x9000004B  }
0xb7: {  	_ =	sfence  }
0xb8: {  	s30 =	sld [smem:$0x0];
	_ =	sdelay $0x2  }
0xb9: {  	s31 =	sshll.u32 s1, $0xD;
	s1 =	sshrl.u32 s1, $0x2  }
0xba: {  	s3 =	sand.u32 $0x4000, s31;
	s1 =	sadd.s32 s1, s30  }
0xbb: {  	s0 =	sor.u32 s3, s0;
	s1 =	sshll.u32 s1, $0x11  }
0xbc: {  	s0 =	sor.u32 s1, s0  }
0xbd: {  	s0 =	sadd.s32 $0x8F2B, s0  }
0xbe: {  	[sflag:s0] =	ssyncadd.remote.s32 $0x1  }
0xbf: {  	_ =	sfence.sel $0xFFFF  }
0xc0: {  	[dreg:$0x0] =	wrdreg $0xFFFFFFFF;
	(pc) =	sbr.abs _section_cstart, $3  }
0xc1: {  	[dreg:$0x1] =	wrdreg $0xFFFFFFFF  }
0xc2: {  	_ =	task.clear_ibuf [dreg:s7], $0x2FFFF;
	_ =	strace $0x9FFFFFFF  }
0xc3: {  	(tm) =	ssettm $0x7FFFFFFF  }
tec
execute0_lowered:
.L_overlay_start_1:
0x0: {  	(tag) =	ssettag $0x1  }
0x1: {  	s6 =	rddreg [dreg:$0x0]  }
0x2: {  	s9 =	rddreg [dreg:$0x1]  }
0x3: {  	s1 =	rddreg [dreg:$0x2];
	s2 =	srdreg.scid;
	s23 =	simm.s32 $0x0  }
0x4: {  	s0 =	stileid.u32;
	s19 =	simm.s32 $0x1400;
	s20 =	simm.s32 $0x80  }
0x5: {  	s21 =	simm.s32 $0x2800;
	s22 =	simm.s32 $0x6800;
	s28 =	simm.s32 $0x1380  }
0x6: {  	s29 =	simm.s32 $0x0;
	s7 =	sand.u32 $0x1, s2;
	[smem:$0x7FF] =	sst s23  }
0x7: {  	s8 =	smul.u32 $0x14000, s0;
	s4 =	sadd.s32 $0xC200, s6;
	s10 =	sadd.s32 $0x1800, s6  }
0x8: {  	s11 =	smul.u32 $0x50000, s0;
	s26 =	sshll.u32 s0, $0x6;
	s23 =	simm.s32 $0x1  }
0x9: {  	s5 =	smul.u32 $0x140000, s7;
	s24 =	ssub.s32 $0x2, s7;
	s7 =	sshll.u32 s7, $0x4  }
0xa: {  	_ =	strace $0x8000004A;
	s25 =	sshrl.u32 s24, $0x1;
	s7 =	sor.u32 s0, s7  }
0xb: {  	s11 =	sshrl.u32 s11, $0x2;
	s8 =	sadd.s32 s8, s5;
	s5 =	sadd.s32 $0xB800, s6  }
0xc: {  	s13 =	sadd.s32 s11, s1;
	s7 =	smul.u32 $0x2800, s7;
	s14 =	ssub.s32 s24, s25  }
0xd: {  	s24 =	simm.s32 $0x2;
	s25 =	simm.s32 $0x2780;
	s8 =	sshrl.u32 s8, $0x3  }
0xe: {  	s15 =	sadd.s32 $0x4000, s13;
	s16 =	sadd.s32 $0x8000, s13;
	s17 =	sadd.s32 $0xC000, s13  }
0xf: {  	s18 =	sadd.s32 $0x10000, s13;
	s13 =	sshrl.u32 s13, $0x3;
	s12 =	sadd.s32 s8, s6  }
0x10: {  	s6 =	sor.u32 $0x1C03, s26;
	s30 =	sshrl.u32 s7, $0x3;
	s15 =	sshrl.u32 s15, $0x3  }
0x11: {  	s16 =	sshrl.u32 s16, $0x3;
	s17 =	sshrl.u32 s17, $0x3;
	s18 =	sshrl.u32 s18, $0x3  }
0x12: {  	s26 =	simm.s32 $0x1300;
	s7 =	sadd.s32 s9, s30;
	s31 =	sadd.s32 $0x280, s30  }
0x13: {  	s8 =	sadd.s32 s10, s30;
	s11 =	sadd.s32 $0x5CA00, s12;
	s12 =	smax.u32 s14, $0x1  }
0x14: {  	s14 =	simm.s32 $0x3;
	s9 =	sadd.s32 s9, s31;
	s10 =	sadd.s32 s10, s31  }
.LBB2_1:
0x15: {  	[spmem:s13], [sflag:s6] =	dma.local [hbm:s5], $0x800  }
0x16: {  	_ =	swait.ge [sflag:s14], $0x800  }
0x17: {  	[sflag:s14] =	ssyncset.done $0x0  }
0x18: {  	[sflag:s14] =	ssyncadd.s32 $0xFFFFF800  }
0x19: {  	[spmem:s15], [sflag:s6] =	dma.local [hbm:s5], $0x800  }
0x1a: {  	_ =	swait.ge [sflag:s14], $0x800  }
0x1b: {  	[sflag:s14] =	ssyncset.done $0x0  }
0x1c: {  	[sflag:s14] =	ssyncadd.s32 $0xFFFFF800  }
0x1d: {  	[spmem:s16], [sflag:s6] =	dma.local [hbm:s5], $0x800  }
0x1e: {  	_ =	swait.ge [sflag:s14], $0x800  }
0x1f: {  	[sflag:s14] =	ssyncset.done $0x0  }
0x20: {  	[sflag:s14] =	ssyncadd.s32 $0xFFFFF800  }
0x21: {  	[spmem:s17], [sflag:s6] =	dma.local [hbm:s5], $0x800  }
0x22: {  	_ =	swait.ge [sflag:s14], $0x800  }
0x23: {  	[sflag:s14] =	ssyncset.done $0x0  }
0x24: {  	[sflag:s14] =	ssyncadd.s32 $0xFFFFF800  }
0x25: {  	[spmem:s18], [sflag:s6] =	dma.local [hbm:s5], $0x800  }
0x26: {  	_ =	swait.ge [sflag:s14], $0x800  }
0x27: {  	[sflag:s14] =	ssyncset.done $0x0  }
0x28: {  	[sflag:s14] =	ssyncadd.s32 $0xFFFFF800  }
0x29: {  	s0 =	simm.s32 $0x0;
	[bflag:$0x0] =	sbarrier.arrive $0xFFFF  }
0x2a: {  	[tilespmem:s0], [sflag:$0x3] =	stream.linear.gather [hbm4b:s7+s0], $0x1400, $0x38;
	[tilespmem:$0x1E800] =	vst v63  }
0x2b: {  	_ =	swait.ge [sflag:s14], $0x1400  }
0x2c: {  	[sflag:s14] =	ssyncset.done $0x0  }
0x2d: {  	[sflag:s14] =	ssyncadd.s32 $0xFFFFEC00  }
0x2e: {  	[tilespmem:s19], [sflag:$0x3] =	stream.linear.gather [hbm4b:s8+s0], $0x1400, $0x38;
	[tilespmem:$0x1E800] =	vst v63  }
0x2f: {  	_ =	swait.ge [sflag:s14], $0x1400  }
0x30: {  	[sflag:s14] =	ssyncset.done $0x0  }
0x31: {  	[sflag:s14] =	ssyncadd.s32 $0xFFFFEC00  }
0x32: {  	[tilespmem:s21], [sflag:$0x1] =	stream.indirect.gather [hbm4b:s4+s20], $0x80, s19, s20, $0xb8;
	[tilespmem:$0x1E800] =	vst v63  }
0x33: {  	s30 =	simm.s32 $0x1480  }
0x34: {  	[tilespmem:s22], [sflag:$0x2] =	stream.indirect.gather [hbm4b:s4+s20], $0x80, s30, s20, $0xb8;
	[tilespmem:$0x1E800] =	vst v63  }
0x35: {  	_ =	swait.ge [sflag:s23], $0x4000  }
0x36: {  	[sflag:s23] =	ssyncset.done $0x0  }
0x37: {  	s30 =	simm.s32 $0x0;
	[sflag:s23] =	ssyncadd.s32 $0xFFFFC000  }
0x38: {  	[spmem:s1] =	stream.indirect.scatter.add.f32 [tilespmem:s21], [sflag:$0x3], $0x80, s30, s20, $0xb8;
	[tilespmem:$0x1E800] =	vst v63  }
0x39: {  	_ =	swait.ge [sflag:s14], $0x4000  }
0x3a: {  	[sflag:s14] =	ssyncset.done $0x0  }
0x3b: {  	s30 =	simm.s32 $0x1500;
	[sflag:s14] =	ssyncadd.s32 $0xFFFFC000  }
0x3c: {  	[tilespmem:s21], [sflag:$0x1] =	stream.indirect.gather [hbm4b:s4+s20], $0x80, s30, s20, $0xb8;
	[tilespmem:$0x1E800] =	vst v63  }
0x3d: {  	_ =	swait.ge [sflag:s24], $0x4000  }
0x3e: {  	[sflag:s24] =	ssyncset.done $0x0  }
0x3f: {  	s30 =	simm.s32 $0x80;
	[sflag:s24] =	ssyncadd.s32 $0xFFFFC000  }
0x40: {  	[spmem:s1] =	stream.indirect.scatter.add.f32 [tilespmem:s22], [sflag:$0x3], $0x80, s30, s20, $0xb8;
	[tilespmem:$0x1E800] =	vst v63  }
0x41: {  	_ =	swait.ge [sflag:s14], $0x4000  }
0x42: {  	s31 =	simm.s32 $0x800;
	s30 =	simm.s32 $0x100;
	[sflag:s14] =	ssyncset.done $0x0  }
.LBB2_2:
0x43: {  	s0 =	sadd.s32 $0x1480, s30  }
0x44: {  	[sflag:s14] =	ssyncadd.s32 $0xFFFFC000;
	s2 =	smov.u32 s31;
	s3 =	sadd.s32 $0x400, s31  }
0x45: {  	[tilespmem:s22], [sflag:$0x2] =	stream.indirect.gather [hbm4b:s4+s20], $0x80, s0, s20, $0xb8;
	[tilespmem:$0x1E800] =	vst v63  }
0x46: {  	p0 =	sne.s32 s31, $0x4800;
	_ =	swait.ge [sflag:s23], $0x4000  }
0x47: {  	[sflag:s23] =	ssyncset.done $0x0  }
0x48: {  	[sflag:s23] =	ssyncadd.s32 $0xFFFFC000  }
0x49: {  	[spmem:s1] =	stream.indirect.scatter.add.f32 [tilespmem:s21], [sflag:$0x3], $0x80, s30, s20, $0xb8;
	[tilespmem:$0x1E800] =	vst v63  }
0x4a: {  	_ =	swait.ge [sflag:s14], $0x4000  }
0x4b: {  	[sflag:s14] =	ssyncset.done $0x0  }
0x4c: {  	s0 =	sadd.s32 $0x1500, s30;
	[sflag:s14] =	ssyncadd.s32 $0xFFFFC000  }
0x4d: {  	[tilespmem:s21], [sflag:$0x1] =	stream.indirect.gather [hbm4b:s4+s20], $0x80, s0, s20, $0xb8;
	[tilespmem:$0x1E800] =	vst v63  }
0x4e: {  	_ =	swait.ge [sflag:s24], $0x4000  }
.Ltmp0:
0x4f: {  	[sflag:s24] =	ssyncset.done $0x0;
	(pc) =	sbr.rel @p0 .LBB2_2-.Ltmp0, $4  }
0x50: {  	s0 =	sadd.s32 $0x80, s30;
	[sflag:s24] =	ssyncadd.s32 $0xFFFFC000  }
0x51: {  	[spmem:s1] =	stream.indirect.scatter.add.f32 [tilespmem:s22], [sflag:$0x3], $0x80, s0, s20, $0xb8;
	[tilespmem:$0x1E800] =	vst v63  }
0x52: {  	_ =	swait.ge [sflag:s14], $0x4000  }
0x53: {  	s31 =	smov.u32 s3;
	s30 =	sshra.s32 s2, $0x2;
	[sflag:s14] =	ssyncset.done $0x0  }
0x54: {  	s0 =	sadd.s32 $0x1480, s30;
	[sflag:s14] =	ssyncadd.s32 $0xFFFFC000  }
0x55: {  	[tilespmem:s22], [sflag:$0x2] =	stream.indirect.gather [hbm4b:s4+s20], $0x80, s0, s20, $0xb8;
	[tilespmem:$0x1E800] =	vst v63  }
0x56: {  	_ =	swait.ge [sflag:s23], $0x4000  }
0x57: {  	[sflag:s23] =	ssyncset.done $0x0  }
0x58: {  	[sflag:s23] =	ssyncadd.s32 $0xFFFFC000  }
0x59: {  	[spmem:s1] =	stream.indirect.scatter.add.f32 [tilespmem:s21], [sflag:$0x3], $0x80, s30, s20, $0xb8;
	[tilespmem:$0x1E800] =	vst v63  }
0x5a: {  	_ =	swait.ge [sflag:s14], $0x4000  }
0x5b: {  	[sflag:s14] =	ssyncset.done $0x0  }
0x5c: {  	s3 =	sadd.s32 $0x1500, s30;
	[sflag:s14] =	ssyncadd.s32 $0xFFFFC000  }
0x5d: {  	[tilespmem:s21], [sflag:$0x1] =	stream.indirect.gather [hbm4b:s4+s20], $0x80, s3, s20, $0xb8;
	[tilespmem:$0x1E800] =	vst v63  }
0x5e: {  	_ =	swait.ge [sflag:s24], $0x4000  }
0x5f: {  	[sflag:s24] =	ssyncset.done $0x0  }
0x60: {  	s2 =	sadd.s32 $0x80, s30;
	[sflag:s24] =	ssyncadd.s32 $0xFFFFC000  }
0x61: {  	[spmem:s1] =	stream.indirect.scatter.add.f32 [tilespmem:s22], [sflag:$0x3], $0x80, s2, s20, $0xb8;
	[tilespmem:$0x1E800] =	vst v63  }
0x62: {  	_ =	swait.ge [sflag:s14], $0x4000  }
0x63: {  	[sflag:s14] =	ssyncset.done $0x0  }
0x64: {  	[sflag:s14] =	ssyncadd.s32 $0xFFFFC000  }
0x65: {  	[tilespmem:s22], [sflag:$0x2] =	stream.indirect.gather [hbm4b:s4+s20], $0x80, s25, s20, $0xb8;
	[tilespmem:$0x1E800] =	vst v63  }
0x66: {  	_ =	swait.ge [sflag:s23], $0x4000  }
0x67: {  	[sflag:s23] =	ssyncset.done $0x0  }
0x68: {  	[sflag:s23] =	ssyncadd.s32 $0xFFFFC000  }
0x69: {  	[spmem:s1] =	stream.indirect.scatter.add.f32 [tilespmem:s21], [sflag:$0x3], $0x80, s26, s20, $0xb8;
	[tilespmem:$0x1E800] =	vst v63  }
0x6a: {  	_ =	swait.ge [sflag:s14], $0x4000  }
0x6b: {  	[sflag:s14] =	ssyncset.done $0x0  }
0x6c: {  	[sflag:s14] =	ssyncadd.s32 $0xFFFFC000  }
0x6d: {  	_ =	swait.ge [sflag:s24], $0x4000  }
0x6e: {  	[sflag:s24] =	ssyncset.done $0x0  }
0x6f: {  	[sflag:s24] =	ssyncadd.s32 $0xFFFFC000  }
0x70: {  	[spmem:s1] =	stream.indirect.scatter.add.f32 [tilespmem:s22], [sflag:$0x3], $0x80, s28, s20, $0xb8;
	[tilespmem:$0x1E800] =	vst v63  }
0x71: {  	_ =	swait.ge [sflag:s14], $0x4000  }
0x72: {  	[sflag:s14] =	ssyncset.done $0x0  }
0x73: {  	s3 =	simm.s32 $0x0;
	[sflag:s14] =	ssyncadd.s32 $0xFFFFC000  }
0x74: {  	[tilespmem:s3], [sflag:$0x3] =	stream.linear.gather [hbm4b:s9+s3], $0x1400, $0x38;
	[tilespmem:$0x1E800] =	vst v63  }
0x75: {  	_ =	swait.ge [sflag:s14], $0x1400  }
0x76: {  	[sflag:s14] =	ssyncset.done $0x0  }
0x77: {  	[sflag:s14] =	ssyncadd.s32 $0xFFFFEC00  }
0x78: {  	[tilespmem:s19], [sflag:$0x3] =	stream.linear.gather [hbm4b:s10+s3], $0x1400, $0x38;
	[tilespmem:$0x1E800] =	vst v63  }
0x79: {  	_ =	swait.ge [sflag:s14], $0x1400  }
0x7a: {  	[sflag:s14] =	ssyncset.done $0x0  }
0x7b: {  	[sflag:s14] =	ssyncadd.s32 $0xFFFFEC00  }
0x7c: {  	[tilespmem:s21], [sflag:$0x1] =	stream.indirect.gather [hbm4b:s4+s20], $0x80, s19, s20, $0xb8;
	[tilespmem:$0x1E800] =	vst v63  }
0x7d: {  	s2 =	simm.s32 $0x1480  }
0x7e: {  	[tilespmem:s22], [sflag:$0x2] =	stream.indirect.gather [hbm4b:s4+s20], $0x80, s2, s20, $0xb8;
	[tilespmem:$0x1E800] =	vst v63  }
0x7f: {  	_ =	swait.ge [sflag:s23], $0x4000  }
0x80: {  	[sflag:s23] =	ssyncset.done $0x0  }
0x81: {  	s3 =	simm.s32 $0x0;
	[sflag:s23] =	ssyncadd.s32 $0xFFFFC000  }
0x82: {  	[spmem:s1] =	stream.indirect.scatter.add.f32 [tilespmem:s21], [sflag:$0x3], $0x80, s3, s20, $0xb8;
	[tilespmem:$0x1E800] =	vst v63  }
0x83: {  	_ =	swait.ge [sflag:s14], $0x4000  }
0x84: {  	[sflag:s14] =	ssyncset.done $0x0  }
0x85: {  	s2 =	simm.s32 $0x1500;
	[sflag:s14] =	ssyncadd.s32 $0xFFFFC000  }
0x86: {  	[tilespmem:s21], [sflag:$0x1] =	stream.indirect.gather [hbm4b:s4+s20], $0x80, s2, s20, $0xb8;
	[tilespmem:$0x1E800] =	vst v63  }
0x87: {  	_ =	swait.ge [sflag:s24], $0x4000  }
0x88: {  	[sflag:s24] =	ssyncset.done $0x0  }
0x89: {  	s3 =	simm.s32 $0x80;
	[sflag:s24] =	ssyncadd.s32 $0xFFFFC000  }
0x8a: {  	[spmem:s1] =	stream.indirect.scatter.add.f32 [tilespmem:s22], [sflag:$0x3], $0x80, s3, s20, $0xb8;
	[tilespmem:$0x1E800] =	vst v63  }
0x8b: {  	_ =	swait.ge [sflag:s14], $0x4000  }
0x8c: {  	s31 =	simm.s32 $0x800;
	s30 =	simm.s32 $0x100;
	[sflag:s14] =	ssyncset.done $0x0  }
.LBB2_4:
0x8d: {  	s0 =	sadd.s32 $0x1480, s30  }
0x8e: {  	[sflag:s14] =	ssyncadd.s32 $0xFFFFC000;
	s2 =	smov.u32 s31;
	s3 =	sadd.s32 $0x400, s31  }
0x8f: {  	[tilespmem:s22], [sflag:$0x2] =	stream.indirect.gather [hbm4b:s4+s20], $0x80, s0, s20, $0xb8;
	[tilespmem:$0x1E800] =	vst v63  }
0x90: {  	p0 =	sne.s32 s31, $0x4800;
	_ =	swait.ge [sflag:s23], $0x4000  }
0x91: {  	[sflag:s23] =	ssyncset.done $0x0  }
0x92: {  	[sflag:s23] =	ssyncadd.s32 $0xFFFFC000  }
0x93: {  	[spmem:s1] =	stream.indirect.scatter.add.f32 [tilespmem:s21], [sflag:$0x3], $0x80, s30, s20, $0xb8;
	[tilespmem:$0x1E800] =	vst v63  }
0x94: {  	_ =	swait.ge [sflag:s14], $0x4000  }
0x95: {  	[sflag:s14] =	ssyncset.done $0x0  }
0x96: {  	s0 =	sadd.s32 $0x1500, s30;
	[sflag:s14] =	ssyncadd.s32 $0xFFFFC000  }
0x97: {  	[tilespmem:s21], [sflag:$0x1] =	stream.indirect.gather [hbm4b:s4+s20], $0x80, s0, s20, $0xb8;
	[tilespmem:$0x1E800] =	vst v63  }
0x98: {  	_ =	swait.ge [sflag:s24], $0x4000  }
.Ltmp1:
0x99: {  	[sflag:s24] =	ssyncset.done $0x0;
	(pc) =	sbr.rel @p0 .LBB2_4-.Ltmp1, $4  }
0x9a: {  	s0 =	sadd.s32 $0x80, s30;
	[sflag:s24] =	ssyncadd.s32 $0xFFFFC000  }
0x9b: {  	[spmem:s1] =	stream.indirect.scatter.add.f32 [tilespmem:s22], [sflag:$0x3], $0x80, s0, s20, $0xb8;
	[tilespmem:$0x1E800] =	vst v63  }
0x9c: {  	_ =	swait.ge [sflag:s14], $0x4000  }
0x9d: {  	s31 =	smov.u32 s3;
	s30 =	sshra.s32 s2, $0x2;
	[sflag:s14] =	ssyncset.done $0x0  }
0x9e: {  	s0 =	sadd.s32 $0x1480, s30;
	[sflag:s14] =	ssyncadd.s32 $0xFFFFC000  }
0x9f: {  	[tilespmem:s22], [sflag:$0x2] =	stream.indirect.gather [hbm4b:s4+s20], $0x80, s0, s20, $0xb8;
	[tilespmem:$0x1E800] =	vst v63  }
0xa0: {  	_ =	swait.ge [sflag:s23], $0x4000  }
0xa1: {  	[sflag:s23] =	ssyncset.done $0x0  }
0xa2: {  	[sflag:s23] =	ssyncadd.s32 $0xFFFFC000  }
0xa3: {  	[spmem:s1] =	stream.indirect.scatter.add.f32 [tilespmem:s21], [sflag:$0x3], $0x80, s30, s20, $0xb8;
	[tilespmem:$0x1E800] =	vst v63  }
0xa4: {  	_ =	swait.ge [sflag:s14], $0x4000  }
0xa5: {  	[sflag:s14] =	ssyncset.done $0x0  }
0xa6: {  	s3 =	sadd.s32 $0x1500, s30;
	[sflag:s14] =	ssyncadd.s32 $0xFFFFC000  }
0xa7: {  	[tilespmem:s21], [sflag:$0x1] =	stream.indirect.gather [hbm4b:s4+s20], $0x80, s3, s20, $0xb8;
	[tilespmem:$0x1E800] =	vst v63  }
0xa8: {  	_ =	swait.ge [sflag:s24], $0x4000  }
0xa9: {  	[sflag:s24] =	ssyncset.done $0x0  }
0xaa: {  	s31 =	sadd.s32 $0x80, s30;
	[sflag:s24] =	ssyncadd.s32 $0xFFFFC000  }
0xab: {  	[spmem:s1] =	stream.indirect.scatter.add.f32 [tilespmem:s22], [sflag:$0x3], $0x80, s31, s20, $0xb8;
	[tilespmem:$0x1E800] =	vst v63  }
0xac: {  	_ =	swait.ge [sflag:s14], $0x4000  }
0xad: {  	[sflag:s14] =	ssyncset.done $0x0  }
0xae: {  	[sflag:s14] =	ssyncadd.s32 $0xFFFFC000  }
0xaf: {  	[tilespmem:s22], [sflag:$0x2] =	stream.indirect.gather [hbm4b:s4+s20], $0x80, s25, s20, $0xb8;
	[tilespmem:$0x1E800] =	vst v63  }
0xb0: {  	_ =	swait.ge [sflag:s23], $0x4000  }
0xb1: {  	[sflag:s23] =	ssyncset.done $0x0  }
0xb2: {  	[sflag:s23] =	ssyncadd.s32 $0xFFFFC000  }
0xb3: {  	[spmem:s1] =	stream.indirect.scatter.add.f32 [tilespmem:s21], [sflag:$0x3], $0x80, s26, s20, $0xb8;
	[tilespmem:$0x1E800] =	vst v63  }
0xb4: {  	_ =	swait.ge [sflag:s14], $0x4000  }
0xb5: {  	[sflag:s14] =	ssyncset.done $0x0  }
0xb6: {  	[sflag:s14] =	ssyncadd.s32 $0xFFFFC000  }
0xb7: {  	_ =	swait.ge [sflag:s24], $0x4000  }
0xb8: {  	[sflag:s24] =	ssyncset.done $0x0  }
0xb9: {  	[sflag:s24] =	ssyncadd.s32 $0xFFFFC000  }
0xba: {  	[spmem:s1] =	stream.indirect.scatter.add.f32 [tilespmem:s22], [sflag:$0x3], $0x80, s28, s20, $0xb8;
	[tilespmem:$0x1E800] =	vst v63  }
0xbb: {  	_ =	swait.ge [sflag:s14], $0x4000  }
0xbc: {  	s29 =	sadd.s32 $0x1, s29;
	[sflag:s14] =	ssyncset.done $0x0  }
0xbd: {  	p0 =	sne.s32 s29, s12;
	[sflag:s14] =	ssyncadd.s32 $0xFFFFC000  }
.Ltmp2:
0xbe: {  	[bflag:$0x0] =	sbarrier.arrive $0xFFFF;
	(pc) =	sbr.rel @p0 .LBB2_1-.Ltmp2, $4  }
0xbf: {  	[hbm:s11], [sflag:s6] =	dma.local [spmem:s13], $0x2800  }
0xc0: {  	_ =	swait.ge [sflag:s14], $0x2800  }
0xc1: {  	[sflag:s14] =	ssyncset.done $0x0  }
0xc2: {  	[sflag:s14] =	ssyncadd.s32 $0xFFFFD800  }
0xc3: {  	_ =	sfence.sel $0x180000  }
0xc4: {  	[bflag:$0x0] =	sbarrier.arrive $0xFFFF  }
0xc5: {  	_ =	strace $0x9000004A  }
0xc6: {  	s0 =	stileid.u32;
	[bflag:$0x2] =	sbarrier.arrive $0xFFFF  }
0xc7: {  	p0 =	sne.s32 s0, $0x0;
	s0 =	rddreg [dreg:$0x3]  }
0xc8: {  	s0 =	sadd.s32 @!p0 $0x100000, s0  }
0xc9: {  	[sflag:s0] =	ssyncadd.tile.s32 @!p0 $0x1;
	_ =	shalt  }
.Lfunc_end2:
_tile_overlayer_lowered:
.L_overlay_start_2:
0xca: {  	(tag) =	ssettag $0x2  }
0xcb: {  	s0 =	rddreg [dreg:$0x0];
	s2 =	stileid.u32  }
0xcc: {  	s1 =	rddreg [dreg:$0x1];
	p0 =	sne.s32 s2, $0x0  }
0xcd: {  	s3 =	rddreg [dreg:$0x2];
	[bflag:$0x3] =	sbarrier.arrive $0xFFFF;
	s2 =	simm.s32 @!p0 $0x1C03  }
0xce: {  	[timem:s3], [sflag:s2] =	dma.local @!p0 [hbm:s0], s1  }
0xcf: {  	s0 =	simm.s32 @!p0 $0x3  }
0xd0: {  	_ =	swait.ge @!p0 [sflag:s0], s1  }
0xd1: {  	s1 =	ssub.s32 @!p0 $0x0, s1;
	[sflag:s0] =	ssyncset.done @!p0 $0x0  }
0xd2: {  	[sflag:s0] =	ssyncadd.s32 @!p0 s1  }
0xd3: {  	[bflag:$0x3] =	sbarrier.arrive $0xFFFF  }
0xd4: {  	_ =	shalt  }

</sc_bundles>
